<compile_context>
chip_gen: v7x
topology: tpu7x:2x2x1
jax: 0.10.2.dev20260603
libtpu: 0.0.44.dev20260713+nightly
codegen_flags: <defaults>
</compile_context>

<pallas_src>
import functools

import jax
import jax.numpy as jnp
from jax import lax
from jax.experimental import pallas as pl
from jax.experimental.pallas import tpu as pltpu
from jax.experimental.pallas import tpu_sc as plsc

_B = 8
_C = 64
_H = 224
_W = 224
_PIX = _H * _W
_NC = 2
_NS = 16
_NW = _NC * _NS
_WPB = 4
_QPIX = _PIX // _WPB
_CHUNK = 896
_NCHUNK = _QPIX // _CHUNK
_G = _CHUNK // 16
_BISECT = 12
_POLISH = 2


def _centers_body(w_ref, mn_ref, mx_ref, o_ref):
    w = w_ref[...]
    mn = mn_ref[...]
    mx = mx_ref[...]
    sp = jnp.maximum(w, 0.0) + jnp.log1p(jnp.exp(-jnp.abs(w)))
    wn = sp / jnp.sum(sp) * (mx - mn)
    row = lax.broadcasted_iota(jnp.int32, (_C, _C), 0)
    col = lax.broadcasted_iota(jnp.int32, (_C, _C), 1)
    tri = (row <= col).astype(jnp.float32)
    cs = jnp.dot(wn, tri, preferred_element_type=jnp.float32)
    o_ref[...] = mn + cs


def _bin_centers(width_params, min_val, max_val):
    w = width_params.reshape(1, _C)
    mn = min_val.reshape(1, 1)
    mx = max_val.reshape(1, 1)
    out = pl.pallas_call(
        _centers_body,
        out_shape=jax.ShapeDtypeStruct((1, _C), jnp.float32),
    )(w, mn, mx)
    return out.reshape(_C)


def _sc_body(x_hbm, ctr_hbm, out_hbm, xb, res, ctr):
    cid = lax.axis_index("c")
    sid = lax.axis_index("s")
    wid = sid * _NC + cid
    b = wid // _WPB
    qbase = (wid % _WPB) * _QPIX

    pltpu.sync_copy(ctr_hbm, ctr)

    def chunk_body(k, carry):
        off = pl.multiple_of(qbase + k * _CHUNK, 128)
        pltpu.sync_copy(x_hbm.at[b, :, pl.ds(off, _CHUNK)], xb)

        def group_body(j, carry2):
            sl = pl.ds(j * 16, 16)

            def max_body(c, ms):
                m0, m1, m2, m3 = ms
                c4 = c * 4
                return (jnp.maximum(m0, xb[c4, sl]),
                        jnp.maximum(m1, xb[c4 + 1, sl]),
                        jnp.maximum(m2, xb[c4 + 2, sl]),
                        jnp.maximum(m3, xb[c4 + 3, sl]))

            ninf = jnp.full((16,), -jnp.inf, jnp.float32)
            m0, m1, m2, m3 = lax.fori_loop(
                0, _C // 4, max_body, (ninf, ninf, ninf, ninf))
            m = jnp.maximum(jnp.maximum(m0, m1), jnp.maximum(m2, m3))

            lo = m - 1.0
            hi = m - (1.0 / _C)

            def bisect_body(i, bracket):
                blo, bhi = bracket
                mid = 0.5 * (blo + bhi)

                def s_body(c, accs):
                    a0, a1, a2, a3 = accs
                    c4 = c * 4
                    return (a0 + jnp.maximum(xb[c4, sl] - mid, 0.0),
                            a1 + jnp.maximum(xb[c4 + 1, sl] - mid, 0.0),
                            a2 + jnp.maximum(xb[c4 + 2, sl] - mid, 0.0),
                            a3 + jnp.maximum(xb[c4 + 3, sl] - mid, 0.0))

                z = jnp.zeros((16,), jnp.float32)
                a0, a1, a2, a3 = lax.fori_loop(0, _C // 4, s_body,
                                               (z, z, z, z))
                s = (a0 + a1) + (a2 + a3)
                g = s > 1.0
                return (jnp.where(g, mid, blo), jnp.where(g, bhi, mid))

            lo, hi = lax.fori_loop(0, _BISECT, bisect_body, (lo, hi))
            t = lo

            for _ in range(_POLISH):
                def sc_body(c, accs):
                    a0, a1, a2, a3, n0, n1, n2, n3 = accs
                    c4 = c * 4
                    d0 = xb[c4, sl] - t
                    d1 = xb[c4 + 1, sl] - t
                    d2 = xb[c4 + 2, sl] - t
                    d3 = xb[c4 + 3, sl] - t
                    one = jnp.float32(1.0)
                    zero = jnp.float32(0.0)
                    return (a0 + jnp.maximum(d0, 0.0),
                            a1 + jnp.maximum(d1, 0.0),
                            a2 + jnp.maximum(d2, 0.0),
                            a3 + jnp.maximum(d3, 0.0),
                            n0 + jnp.where(d0 > 0.0, one, zero),
                            n1 + jnp.where(d1 > 0.0, one, zero),
                            n2 + jnp.where(d2 > 0.0, one, zero),
                            n3 + jnp.where(d3 > 0.0, one, zero))

                z = jnp.zeros((16,), jnp.float32)
                a0, a1, a2, a3, n0, n1, n2, n3 = lax.fori_loop(
                    0, _C // 4, sc_body, (z, z, z, z, z, z, z, z))
                s = (a0 + a1) + (a2 + a3)
                cnt = (n0 + n1) + (n2 + n3)
                t = jnp.minimum(t + (s - 1.0) / jnp.maximum(cnt, 1.0), hi)

            z = jnp.zeros((16,), jnp.float32)
            accs = [z, z, z, z]
            for vb in range(_C // 16):
                cv = ctr[pl.ds(vb * 16, 16)]
                for k in range(16):
                    c = vb * 16 + k
                    accs[k % 4] = (accs[k % 4]
                                   + jnp.maximum(xb[c, sl] - t, 0.0) * cv[k])
            res[sl] = (accs[0] + accs[1]) + (accs[2] + accs[3])
            return carry2

        lax.fori_loop(0, _G, group_body, 0)
        obase = pl.multiple_of(b * _PIX + off, 8)
        pltpu.sync_copy(res, out_hbm.at[pl.ds(obase, _CHUNK)])
        return carry

    lax.fori_loop(0, _NCHUNK, chunk_body, 0)


_sc_sparsemax = functools.partial(
    pl.kernel,
    out_type=jax.ShapeDtypeStruct((_B * _PIX,), jnp.float32),
    mesh=plsc.VectorSubcoreMesh(core_axis_name="c", subcore_axis_name="s"),
    scratch_types=[
        pltpu.VMEM((_C, _CHUNK), jnp.float32),
        pltpu.VMEM((_CHUNK,), jnp.float32),
        pltpu.VMEM((_C,), jnp.float32),
    ],
)(_sc_body)


def kernel(scaler_logits, width_params, min_val, max_val):
    x = scaler_logits.reshape(_B, _C, _PIX)
    centers = _bin_centers(width_params, min_val, max_val)
    out = _sc_sparsemax(x, centers)
    return out.reshape(_B, 1, _H, _W)

# --- scband reference (transcript-rebuilt; emitter-appended) ---
"""Pipeline reference for scband-encoded-scaler-69458211111064 (READ-ONLY COPY).

The authoritative reference and input builder live on the scoring server;
editing this copy changes nothing except your own understanding.
"""

import jax, jax.numpy as jnp
import numpy as np

N = 64
MIN_VAL = 0.0
MAX_VAL = 1.0


def setup_inputs(seed: int = 0) -> dict:
    key = jax.random.key(seed)
    k1, _ = jax.random.split(key)
    scaler_logits = jax.random.normal(k1, (8, N, 224, 224), dtype=jnp.float32)
    # learned parameters per init_kwargs (LearnableBins init: widths = ones(N))
    width_params = jnp.ones((N,), dtype=jnp.float32)
    min_val = jnp.asarray(MIN_VAL, dtype=jnp.float32)
    max_val = jnp.asarray(MAX_VAL, dtype=jnp.float32)
    return {
        "scaler_logits": scaler_logits,
        "width_params": width_params,
        "min_val": min_val,
        "max_val": max_val,
    }


def _sparsemax_dim1(x):
    axis = 1
    # descending sort along channel dim
    x_sorted = -jnp.sort(-x, axis=axis)
    x_cumsum = jnp.cumsum(x_sorted, axis=axis)
    n = x.shape[axis]
    rhos = jnp.arange(1, n + 1, dtype=x.dtype).reshape((1, n, 1, 1))
    support = (1.0 + rhos * x_sorted) > x_cumsum
    k = jnp.sum(support, axis=axis, keepdims=True)
    tau = (jnp.take_along_axis(x_cumsum, k - 1, axis=axis) - 1.0) / k.astype(x.dtype)
    return jnp.clip(x - tau, 0.0, None)


def _bin_edges(width_params, min_val, max_val):
    widths = jax.nn.softplus(width_params)
    widths = widths / jnp.sum(widths) * (max_val - min_val)
    return min_val + jnp.cumsum(widths)


def reference(scaler_logits, width_params, min_val, max_val):
    scaler_p = _sparsemax_dim1(scaler_logits)
    centers = _bin_edges(width_params, min_val, max_val).reshape((1, N, 1, 1))
    scaler = jnp.sum(scaler_p * centers, axis=1, keepdims=True)
    return scaler

if __name__ == "__main__":
    import jax
    _d = setup_inputs()
    print(jax.jit(kernel)(*tuple(_d.values())))

</pallas_src>

<mosaic_0001>
#map = affine_map<(d0, d1) -> (0, 0, 0)>
#map1 = affine_map<(d0, d1) -> (0)>
module attributes {stable_mosaic.version = 14 : i64} {
  func.func @_sc_body(%arg0: i32, %arg1: i32, %arg2: memref<8x64x50176xf32, #tpu.memory_space<hbm>>, %arg3: memref<64xf32, #tpu.memory_space<hbm>>, %arg4: memref<401408xf32, #tpu.memory_space<hbm>>, %arg5: memref<64x896xf32, #tpu.memory_space<vmem>>, %arg6: memref<896xf32, #tpu.memory_space<vmem>>, %arg7: memref<64xf32, #tpu.memory_space<vmem>>) attributes {dimension_semantics = [#tpu.dimension_semantics<core_parallel>, #tpu.dimension_semantics<subcore_parallel>], iteration_bounds = array<i64: 2, 16>, scalar_prefetch = 0 : i64, scratch_operands = 3 : i64, tpu.core_type = #tpu.core_type<sc_vector_subcore>, window_params = [{transform_indices = #map}, {transform_indices = #map1}, {transform_indices = #map1}]} {
    %mul3A = arith.constant 2 : i32
    %mul3A_0 = arith.muli %arg1, %mul3A : i32
    %add3A = arith.addi %mul3A_0, %arg0 : i32
    %jit3A = arith.constant 4 : i32
    %div3A = arith.divsi %add3A, %jit3A : i32
    %sign3A = arith.constant 0 : i32
    %sign3A_1 = arith.cmpi sgt, %add3A, %sign3A : i32
    %sign3A_2 = arith.extui %sign3A_1 : i1 to i32
    %sign3A_3 = arith.constant 0 : i32
    %sign3A_4 = arith.cmpi slt, %add3A, %sign3A_3 : i32
    %sign3A_5 = arith.extui %sign3A_4 : i1 to i32
    %sign3A_6 = arith.subi %sign3A_2, %sign3A_5 : i32
    %sign3A_7 = arith.constant 0 : i32
    %sign3A_8 = arith.cmpi sgt, %jit3A, %sign3A_7 : i32
    %sign3A_9 = arith.extui %sign3A_8 : i1 to i32
    %sign3A_10 = arith.constant 0 : i32
    %sign3A_11 = arith.cmpi slt, %jit3A, %sign3A_10 : i32
    %sign3A_12 = arith.extui %sign3A_11 : i1 to i32
    %sign3A_13 = arith.subi %sign3A_9, %sign3A_12 : i32
    %ne3A = arith.cmpi ne, %sign3A_6, %sign3A_13 : i32
    %rem3A = arith.remsi %add3A, %jit3A : i32
    %ne3A_14 = arith.constant 0 : i32
    %ne3A_15 = arith.cmpi ne, %rem3A, %ne3A_14 : i32
    %and3A = arith.andi %ne3A, %ne3A_15 : i1
    %sub3A = arith.constant 1 : i32
    %sub3A_16 = arith.subi %div3A, %sub3A : i32
    %select_n3A = arith.select %and3A, %sub3A_16, %div3A : i32
    %jit3A_17 = arith.constant 4 : i32
    %eq3A = arith.constant 0 : i32
    %eq3A_18 = arith.cmpi eq, %jit3A_17, %eq3A : i32
    %jit3A_19 = arith.constant 1 : i32
    %select_n3A_20 = arith.select %eq3A_18, %jit3A_19, %jit3A_17 : i32
    %rem3A_21 = arith.remsi %add3A, %select_n3A_20 : i32
    %ne3A_22 = arith.constant 0 : i32
    %ne3A_23 = arith.cmpi ne, %rem3A_21, %ne3A_22 : i32
    %lt3A = arith.constant 0 : i32
    %lt3A_24 = arith.cmpi slt, %rem3A_21, %lt3A : i32
    %lt3A_25 = arith.constant 0 : i32
    %lt3A_26 = arith.cmpi slt, %select_n3A_20, %lt3A_25 : i32
    %ne3A_27 = arith.xori %lt3A_24, %lt3A_26 : i1
    %and3A_28 = arith.andi %ne3A_27, %ne3A_23 : i1
    %add3A_29 = arith.addi %rem3A_21, %select_n3A_20 : i32
    %select_n3A_30 = arith.select %and3A_28, %add3A_29, %rem3A_21 : i32
    %mul3A_31 = arith.constant 12544 : i32
    %mul3A_32 = arith.muli %select_n3A_30, %mul3A_31 : i32
    "tpu.region"() ({
      %run_scoped3A = tpu.sem_alloc : memref<!tpu.dma_semaphore, #tpu.memory_space<semaphore_mem>>
      tpu.enqueue_dma source(%arg3 : memref<64xf32, #tpu.memory_space<hbm>>) target(%arg7 : memref<64xf32, #tpu.memory_space<vmem>>) target_semaphore(%run_scoped3A : memref<!tpu.dma_semaphore, #tpu.memory_space<semaphore_mem>>)
      tpu.wait_dma2 semaphore(%run_scoped3A : memref<!tpu.dma_semaphore, #tpu.memory_space<semaphore_mem>>) src(%arg3 : memref<64xf32, #tpu.memory_space<hbm>>) dst(%arg7 : memref<64xf32, #tpu.memory_space<vmem>>)
      tpu.yield
    }) : () -> ()
    %scan3A = arith.constant 0 : i32
    %scan3A_33 = arith.constant 0 : i32
    %scan3A_34 = arith.constant 14 : i32
    %scan3A_35 = arith.addi %scan3A_33, %scan3A_34 : i32
    %scan3A_36 = arith.constant 1 : i32
    scf.for %scan3A_38 = %scan3A_33 to %scan3A_35 step %scan3A_36  : i32 {
      %mul3A_39 = arith.constant 896 : i32
      %mul3A_40 = arith.muli %scan3A_38, %mul3A_39 : i32
      %add3A_41 = arith.addi %mul3A_32, %mul3A_40 : i32
      %multiple_of3A = tpu.assume_multiple %add3A_41, 128 : i32
      "tpu.region"() ({
        %run_scoped3A = tpu.sem_alloc : memref<!tpu.dma_semaphore, #tpu.memory_space<semaphore_mem>>
        %dma_start3A = arith.constant 0 : i32
        %dma_start3A_52 = tpu.memref_slice %arg2[%select_n3A, %dma_start3A, %multiple_of3A] : memref<8x64x50176xf32, #tpu.memory_space<hbm>> -> memref<1x64x896xf32, #tpu.memory_space<hbm>>
        %dma_start3A_53 = tpu.memref_squeeze %dma_start3A_52 : memref<1x64x896xf32, #tpu.memory_space<hbm>> -> memref<64x896xf32, #tpu.memory_space<hbm>>
        %dma_start3A_54 = arith.constant 0 : i32
        %dma_start3A_55 = tpu.memref_slice %arg2[%select_n3A, %dma_start3A_54, %multiple_of3A] : memref<8x64x50176xf32, #tpu.memory_space<hbm>> -> memref<1x64x896xf32, #tpu.memory_space<hbm>>
        %dma_start3A_56 = tpu.memref_squeeze %dma_start3A_55 : memref<1x64x896xf32, #tpu.memory_space<hbm>> -> memref<64x896xf32, #tpu.memory_space<hbm>>
        tpu.enqueue_dma source(%dma_start3A_56 : memref<64x896xf32, #tpu.memory_space<hbm>>) target(%arg5 : memref<64x896xf32, #tpu.memory_space<vmem>>) target_semaphore(%run_scoped3A : memref<!tpu.dma_semaphore, #tpu.memory_space<semaphore_mem>>)
        %dma_wait3A = arith.constant 0 : i32
        %dma_wait3A_57 = tpu.memref_slice %arg2[%select_n3A, %dma_wait3A, %multiple_of3A] : memref<8x64x50176xf32, #tpu.memory_space<hbm>> -> memref<1x64x896xf32, #tpu.memory_space<hbm>>
        %dma_wait3A_58 = tpu.memref_squeeze %dma_wait3A_57 : memref<1x64x896xf32, #tpu.memory_space<hbm>> -> memref<64x896xf32, #tpu.memory_space<hbm>>
        %dma_wait3A_59 = arith.constant 0 : i32
        %dma_wait3A_60 = tpu.memref_slice %arg2[%select_n3A, %dma_wait3A_59, %multiple_of3A] : memref<8x64x50176xf32, #tpu.memory_space<hbm>> -> memref<1x64x896xf32, #tpu.memory_space<hbm>>
        %dma_wait3A_61 = tpu.memref_squeeze %dma_wait3A_60 : memref<1x64x896xf32, #tpu.memory_space<hbm>> -> memref<64x896xf32, #tpu.memory_space<hbm>>
        tpu.wait_dma2 semaphore(%run_scoped3A : memref<!tpu.dma_semaphore, #tpu.memory_space<semaphore_mem>>) src(%dma_wait3A_61 : memref<64x896xf32, #tpu.memory_space<hbm>>) dst(%arg5 : memref<64x896xf32, #tpu.memory_space<vmem>>)
        tpu.yield
      }) : () -> ()
      %scan3A_42 = arith.constant 0 : i32
      %scan3A_43 = arith.constant 0 : i32
      %scan3A_44 = arith.constant 56 : i32
      %scan3A_45 = arith.addi %scan3A_43, %scan3A_44 : i32
      %scan3A_46 = arith.constant 1 : i32
      scf.for %scan3A_52 = %scan3A_43 to %scan3A_45 step %scan3A_46  : i32 {
        %mul3A_53 = arith.constant 16 : i32
        %mul3A_54 = arith.muli %scan3A_52, %mul3A_53 : i32
        %broadcast_in_dim3A = arith.constant 0xFF800000 : f32
        %broadcast_in_dim3A_55 = vector.broadcast %broadcast_in_dim3A : f32 to vector<16xf32>
        %scan3A_56 = arith.constant 0 : i32
        %scan3A_57 = arith.constant 16 : i32
        %scan3A_58 = arith.addi %scan3A_56, %scan3A_57 : i32
        %scan3A_59 = arith.constant 1 : i32
        %scan3A_60:4 = scf.for %scan3A_1034 = %scan3A_56 to %scan3A_58 step %scan3A_59 iter_args(%scan3A_1035 = %broadcast_in_dim3A_55, %scan3A_1036 = %broadcast_in_dim3A_55, %scan3A_1037 = %broadcast_in_dim3A_55, %scan3A_1038 = %broadcast_in_dim3A_55) -> (vector<16xf32>, vector<16xf32>, vector<16xf32>, vector<16xf32>)  : i32 {
          %mul3A_1039 = arith.constant 4 : i32
          %mul3A_1040 = arith.muli %scan3A_1034, %mul3A_1039 : i32
          %get3A_1041 = arith.index_cast %mul3A_1040 : i32 to index
          %get3A_1042 = arith.index_cast %mul3A_54 : i32 to index
          %get3A_1043 = tpu.vector_load %arg5[%get3A_1041, %get3A_1042] {strides = array<i32>} : memref<64x896xf32, #tpu.memory_space<vmem>>, vector<1x16xf32>,
          %get3A_1044 = vector.shape_cast %get3A_1043 : vector<1x16xf32> to vector<16xf32>
          %max3A_1045 = arith.maximumf %scan3A_1035, %get3A_1044 : vector<16xf32>
          %add3A_1046 = arith.constant 1 : i32
          %add3A_1047 = arith.addi %mul3A_1040, %add3A_1046 : i32
          %get3A_1048 = arith.index_cast %add3A_1047 : i32 to index
          %get3A_1049 = arith.index_cast %mul3A_54 : i32 to index
          %get3A_1050 = tpu.vector_load %arg5[%get3A_1048, %get3A_1049] {strides = array<i32>} : memref<64x896xf32, #tpu.memory_space<vmem>>, vector<1x16xf32>,
          %get3A_1051 = vector.shape_cast %get3A_1050 : vector<1x16xf32> to vector<16xf32>
          %max3A_1052 = arith.maximumf %scan3A_1036, %get3A_1051 : vector<16xf32>
          %add3A_1053 = arith.constant 2 : i32
          %add3A_1054 = arith.addi %mul3A_1040, %add3A_1053 : i32
          %get3A_1055 = arith.index_cast %add3A_1054 : i32 to index
          %get3A_1056 = arith.index_cast %mul3A_54 : i32 to index
          %get3A_1057 = tpu.vector_load %arg5[%get3A_1055, %get3A_1056] {strides = array<i32>} : memref<64x896xf32, #tpu.memory_space<vmem>>, vector<1x16xf32>,
          %get3A_1058 = vector.shape_cast %get3A_1057 : vector<1x16xf32> to vector<16xf32>
          %max3A_1059 = arith.maximumf %scan3A_1037, %get3A_1058 : vector<16xf32>
          %add3A_1060 = arith.constant 3 : i32
          %add3A_1061 = arith.addi %mul3A_1040, %add3A_1060 : i32
          %get3A_1062 = arith.index_cast %add3A_1061 : i32 to index
          %get3A_1063 = arith.index_cast %mul3A_54 : i32 to index
          %get3A_1064 = tpu.vector_load %arg5[%get3A_1062, %get3A_1063] {strides = array<i32>} : memref<64x896xf32, #tpu.memory_space<vmem>>, vector<1x16xf32>,
          %get3A_1065 = vector.shape_cast %get3A_1064 : vector<1x16xf32> to vector<16xf32>
          %max3A_1066 = arith.maximumf %scan3A_1038, %get3A_1065 : vector<16xf32>
          scf.yield %max3A_1045, %max3A_1052, %max3A_1059, %max3A_1066 : vector<16xf32>, vector<16xf32>, vector<16xf32>, vector<16xf32>
        }
        %scan3A_61 = arith.constant 16 : i32
        %max3A = arith.maximumf %scan3A_60#0, %scan3A_60#1 : vector<16xf32>
        %max3A_62 = arith.maximumf %scan3A_60#2, %scan3A_60#3 : vector<16xf32>
        %max3A_63 = arith.maximumf %max3A, %max3A_62 : vector<16xf32>
        %sub3A_64 = arith.constant 1.000000e+00 : f32
        %sub3A_65 = vector.broadcast %sub3A_64 : f32 to vector<16xf32>
        %sub3A_66 = arith.subf %max3A_63, %sub3A_65 : vector<16xf32>
        %sub3A_67 = arith.constant 1.562500e-02 : f32
        %sub3A_68 = vector.broadcast %sub3A_67 : f32 to vector<16xf32>
        %sub3A_69 = arith.subf %max3A_63, %sub3A_68 : vector<16xf32>
        %scan3A_70 = arith.constant 0 : i32
        %scan3A_71 = arith.constant 12 : i32
        %scan3A_72 = arith.addi %scan3A_70, %scan3A_71 : i32
        %scan3A_73 = arith.constant 1 : i32
        %scan3A_74:2 = scf.for %scan3A_1034 = %scan3A_70 to %scan3A_72 step %scan3A_73 iter_args(%scan3A_1035 = %sub3A_66, %scan3A_1036 = %sub3A_69) -> (vector<16xf32>, vector<16xf32>)  : i32 {
          %add3A_1037 = arith.addf %scan3A_1035, %scan3A_1036 : vector<16xf32>
          %mul3A_1038 = arith.constant 5.000000e-01 : f32
          %mul3A_1039 = vector.broadcast %mul3A_1038 : f32 to vector<16xf32>
          %mul3A_1040 = arith.mulf %mul3A_1039, %add3A_1037 : vector<16xf32>
          %broadcast_in_dim3A_1041 = arith.constant 0.000000e+00 : f32
          %broadcast_in_dim3A_1042 = vector.broadcast %broadcast_in_dim3A_1041 : f32 to vector<16xf32>
          %scan3A_1043 = arith.constant 0 : i32
          %scan3A_1044 = arith.constant 16 : i32
          %scan3A_1045 = arith.addi %scan3A_1043, %scan3A_1044 : i32
          %scan3A_1046 = arith.constant 1 : i32
          %scan3A_1047:4 = scf.for %scan3A_1056 = %scan3A_1043 to %scan3A_1045 step %scan3A_1046 iter_args(%scan3A_1057 = %broadcast_in_dim3A_1042, %scan3A_1058 = %broadcast_in_dim3A_1042, %scan3A_1059 = %broadcast_in_dim3A_1042, %scan3A_1060 = %broadcast_in_dim3A_1042) -> (vector<16xf32>, vector<16xf32>, vector<16xf32>, vector<16xf32>)  : i32 {
            %mul3A_1061 = arith.constant 4 : i32
            %mul3A_1062 = arith.muli %scan3A_1056, %mul3A_1061 : i32
            %get3A_1063 = arith.index_cast %mul3A_1062 : i32 to index
            %get3A_1064 = arith.index_cast %mul3A_54 : i32 to index
            %get3A_1065 = tpu.vector_load %arg5[%get3A_1063, %get3A_1064] {strides = array<i32>} : memref<64x896xf32, #tpu.memory_space<vmem>>, vector<1x16xf32>,
            %get3A_1066 = vector.shape_cast %get3A_1065 : vector<1x16xf32> to vector<16xf32>
            %sub3A_1067 = arith.subf %get3A_1066, %mul3A_1040 : vector<16xf32>
            %max3A_1068 = arith.constant 0.000000e+00 : f32
            %max3A_1069 = vector.broadcast %max3A_1068 : f32 to vector<16xf32>
            %max3A_1070 = arith.maximumf %sub3A_1067, %max3A_1069 : vector<16xf32>
            %add3A_1071 = arith.addf %scan3A_1057, %max3A_1070 : vector<16xf32>
            %add3A_1072 = arith.constant 1 : i32
            %add3A_1073 = arith.addi %mul3A_1062, %add3A_1072 : i32
            %get3A_1074 = arith.index_cast %add3A_1073 : i32 to index
            %get3A_1075 = arith.index_cast %mul3A_54 : i32 to index
            %get3A_1076 = tpu.vector_load %arg5[%get3A_1074, %get3A_1075] {strides = array<i32>} : memref<64x896xf32, #tpu.memory_space<vmem>>, vector<1x16xf32>,
            %get3A_1077 = vector.shape_cast %get3A_1076 : vector<1x16xf32> to vector<16xf32>
            %sub3A_1078 = arith.subf %get3A_1077, %mul3A_1040 : vector<16xf32>
            %max3A_1079 = arith.constant 0.000000e+00 : f32
            %max3A_1080 = vector.broadcast %max3A_1079 : f32 to vector<16xf32>
            %max3A_1081 = arith.maximumf %sub3A_1078, %max3A_1080 : vector<16xf32>
            %add3A_1082 = arith.addf %scan3A_1058, %max3A_1081 : vector<16xf32>
            %add3A_1083 = arith.constant 2 : i32
            %add3A_1084 = arith.addi %mul3A_1062, %add3A_1083 : i32
            %get3A_1085 = arith.index_cast %add3A_1084 : i32 to index
            %get3A_1086 = arith.index_cast %mul3A_54 : i32 to index
            %get3A_1087 = tpu.vector_load %arg5[%get3A_1085, %get3A_1086] {strides = array<i32>} : memref<64x896xf32, #tpu.memory_space<vmem>>, vector<1x16xf32>,
            %get3A_1088 = vector.shape_cast %get3A_1087 : vector<1x16xf32> to vector<16xf32>
            %sub3A_1089 = arith.subf %get3A_1088, %mul3A_1040 : vector<16xf32>
            %max3A_1090 = arith.constant 0.000000e+00 : f32
            %max3A_1091 = vector.broadcast %max3A_1090 : f32 to vector<16xf32>
            %max3A_1092 = arith.maximumf %sub3A_1089, %max3A_1091 : vector<16xf32>
            %add3A_1093 = arith.addf %scan3A_1059, %max3A_1092 : vector<16xf32>
            %add3A_1094 = arith.constant 3 : i32
            %add3A_1095 = arith.addi %mul3A_1062, %add3A_1094 : i32
            %get3A_1096 = arith.index_cast %add3A_1095 : i32 to index
            %get3A_1097 = arith.index_cast %mul3A_54 : i32 to index
            %get3A_1098 = tpu.vector_load %arg5[%get3A_1096, %get3A_1097] {strides = array<i32>} : memref<64x896xf32, #tpu.memory_space<vmem>>, vector<1x16xf32>,
            %get3A_1099 = vector.shape_cast %get3A_1098 : vector<1x16xf32> to vector<16xf32>
            %sub3A_1100 = arith.subf %get3A_1099, %mul3A_1040 : vector<16xf32>
            %max3A_1101 = arith.constant 0.000000e+00 : f32
            %max3A_1102 = vector.broadcast %max3A_1101 : f32 to vector<16xf32>
            %max3A_1103 = arith.maximumf %sub3A_1100, %max3A_1102 : vector<16xf32>
            %add3A_1104 = arith.addf %scan3A_1060, %max3A_1103 : vector<16xf32>
            scf.yield %add3A_1071, %add3A_1082, %add3A_1093, %add3A_1104 : vector<16xf32>, vector<16xf32>, vector<16xf32>, vector<16xf32>
          }
          %scan3A_1048 = arith.constant 16 : i32
          %add3A_1049 = arith.addf %scan3A_1047#0, %scan3A_1047#1 : vector<16xf32>
          %add3A_1050 = arith.addf %scan3A_1047#2, %scan3A_1047#3 : vector<16xf32>
          %add3A_1051 = arith.addf %add3A_1049, %add3A_1050 : vector<16xf32>
          %gt3A = arith.constant 1.000000e+00 : f32
          %gt3A_1052 = vector.broadcast %gt3A : f32 to vector<16xf32>
          %gt3A_1053 = arith.cmpf ogt, %add3A_1051, %gt3A_1052 : vector<16xf32>
          %select_n3A_1054 = arith.select %gt3A_1053, %mul3A_1040, %scan3A_1035 : vector<16xi1>, vector<16xf32>
          %select_n3A_1055 = arith.select %gt3A_1053, %scan3A_1036, %mul3A_1040 : vector<16xi1>, vector<16xf32>
          scf.yield %select_n3A_1054, %select_n3A_1055 : vector<16xf32>, vector<16xf32>
        }
        %scan3A_75 = arith.constant 12 : i32
        %broadcast_in_dim3A_76 = arith.constant 0.000000e+00 : f32
        %broadcast_in_dim3A_77 = vector.broadcast %broadcast_in_dim3A_76 : f32 to vector<16xf32>
        %scan3A_78 = arith.constant 0 : i32
        %scan3A_79 = arith.constant 16 : i32
        %scan3A_80 = arith.addi %scan3A_78, %scan3A_79 : i32
        %scan3A_81 = arith.constant 1 : i32
        %scan3A_82:8 = scf.for %scan3A_1034 = %scan3A_78 to %scan3A_80 step %scan3A_81 iter_args(%scan3A_1035 = %broadcast_in_dim3A_77, %scan3A_1036 = %broadcast_in_dim3A_77, %scan3A_1037 = %broadcast_in_dim3A_77, %scan3A_1038 = %broadcast_in_dim3A_77, %scan3A_1039 = %broadcast_in_dim3A_77, %scan3A_1040 = %broadcast_in_dim3A_77, %scan3A_1041 = %broadcast_in_dim3A_77, %scan3A_1042 = %broadcast_in_dim3A_77) -> (vector<16xf32>, vector<16xf32>, vector<16xf32>, vector<16xf32>, vector<16xf32>, vector<16xf32>, vector<16xf32>, vector<16xf32>)  : i32 {
          %mul3A_1043 = arith.constant 4 : i32
          %mul3A_1044 = arith.muli %scan3A_1034, %mul3A_1043 : i32
          %get3A_1045 = arith.index_cast %mul3A_1044 : i32 to index
          %get3A_1046 = arith.index_cast %mul3A_54 : i32 to index
          %get3A_1047 = tpu.vector_load %arg5[%get3A_1045, %get3A_1046] {strides = array<i32>} : memref<64x896xf32, #tpu.memory_space<vmem>>, vector<1x16xf32>,
          %get3A_1048 = vector.shape_cast %get3A_1047 : vector<1x16xf32> to vector<16xf32>
          %sub3A_1049 = arith.subf %get3A_1048, %scan3A_74#0 : vector<16xf32>
          %add3A_1050 = arith.constant 1 : i32
          %add3A_1051 = arith.addi %mul3A_1044, %add3A_1050 : i32
          %get3A_1052 = arith.index_cast %add3A_1051 : i32 to index
          %get3A_1053 = arith.index_cast %mul3A_54 : i32 to index
          %get3A_1054 = tpu.vector_load %arg5[%get3A_1052, %get3A_1053] {strides = array<i32>} : memref<64x896xf32, #tpu.memory_space<vmem>>, vector<1x16xf32>,
          %get3A_1055 = vector.shape_cast %get3A_1054 : vector<1x16xf32> to vector<16xf32>
          %sub3A_1056 = arith.subf %get3A_1055, %scan3A_74#0 : vector<16xf32>
          %add3A_1057 = arith.constant 2 : i32
          %add3A_1058 = arith.addi %mul3A_1044, %add3A_1057 : i32
          %get3A_1059 = arith.index_cast %add3A_1058 : i32 to index
          %get3A_1060 = arith.index_cast %mul3A_54 : i32 to index
          %get3A_1061 = tpu.vector_load %arg5[%get3A_1059, %get3A_1060] {strides = array<i32>} : memref<64x896xf32, #tpu.memory_space<vmem>>, vector<1x16xf32>,
          %get3A_1062 = vector.shape_cast %get3A_1061 : vector<1x16xf32> to vector<16xf32>
          %sub3A_1063 = arith.subf %get3A_1062, %scan3A_74#0 : vector<16xf32>
          %add3A_1064 = arith.constant 3 : i32
          %add3A_1065 = arith.addi %mul3A_1044, %add3A_1064 : i32
          %get3A_1066 = arith.index_cast %add3A_1065 : i32 to index
          %get3A_1067 = arith.index_cast %mul3A_54 : i32 to index
          %get3A_1068 = tpu.vector_load %arg5[%get3A_1066, %get3A_1067] {strides = array<i32>} : memref<64x896xf32, #tpu.memory_space<vmem>>, vector<1x16xf32>,
          %get3A_1069 = vector.shape_cast %get3A_1068 : vector<1x16xf32> to vector<16xf32>
          %sub3A_1070 = arith.subf %get3A_1069, %scan3A_74#0 : vector<16xf32>
          %max3A_1071 = arith.constant 0.000000e+00 : f32
          %max3A_1072 = vector.broadcast %max3A_1071 : f32 to vector<16xf32>
          %max3A_1073 = arith.maximumf %sub3A_1049, %max3A_1072 : vector<16xf32>
          %add3A_1074 = arith.addf %scan3A_1035, %max3A_1073 : vector<16xf32>
          %max3A_1075 = arith.constant 0.000000e+00 : f32
          %max3A_1076 = vector.broadcast %max3A_1075 : f32 to vector<16xf32>
          %max3A_1077 = arith.maximumf %sub3A_1056, %max3A_1076 : vector<16xf32>
          %add3A_1078 = arith.addf %scan3A_1036, %max3A_1077 : vector<16xf32>
          %max3A_1079 = arith.constant 0.000000e+00 : f32
          %max3A_1080 = vector.broadcast %max3A_1079 : f32 to vector<16xf32>
          %max3A_1081 = arith.maximumf %sub3A_1063, %max3A_1080 : vector<16xf32>
          %add3A_1082 = arith.addf %scan3A_1037, %max3A_1081 : vector<16xf32>
          %max3A_1083 = arith.constant 0.000000e+00 : f32
          %max3A_1084 = vector.broadcast %max3A_1083 : f32 to vector<16xf32>
          %max3A_1085 = arith.maximumf %sub3A_1070, %max3A_1084 : vector<16xf32>
          %add3A_1086 = arith.addf %scan3A_1038, %max3A_1085 : vector<16xf32>
          %gt3A = arith.constant 0.000000e+00 : f32
          %gt3A_1087 = vector.broadcast %gt3A : f32 to vector<16xf32>
          %gt3A_1088 = arith.cmpf ogt, %sub3A_1049, %gt3A_1087 : vector<16xf32>
          %jit3A_1089 = arith.constant 1.000000e+00 : f32
          %jit3A_1090 = arith.constant 0.000000e+00 : f32
          %broadcast_in_dim3A_1091 = vector.broadcast %jit3A_1089 : f32 to vector<16xf32>
          %broadcast_in_dim3A_1092 = vector.broadcast %jit3A_1090 : f32 to vector<16xf32>
          %select_n3A_1093 = arith.select %gt3A_1088, %broadcast_in_dim3A_1091, %broadcast_in_dim3A_1092 : vector<16xi1>, vector<16xf32>
          %add3A_1094 = arith.addf %scan3A_1039, %select_n3A_1093 : vector<16xf32>
          %gt3A_1095 = arith.constant 0.000000e+00 : f32
          %gt3A_1096 = vector.broadcast %gt3A_1095 : f32 to vector<16xf32>
          %gt3A_1097 = arith.cmpf ogt, %sub3A_1056, %gt3A_1096 : vector<16xf32>
          %jit3A_1098 = arith.constant 1.000000e+00 : f32
          %jit3A_1099 = arith.constant 0.000000e+00 : f32
          %broadcast_in_dim3A_1100 = vector.broadcast %jit3A_1098 : f32 to vector<16xf32>
          %broadcast_in_dim3A_1101 = vector.broadcast %jit3A_1099 : f32 to vector<16xf32>
          %select_n3A_1102 = arith.select %gt3A_1097, %broadcast_in_dim3A_1100, %broadcast_in_dim3A_1101 : vector<16xi1>, vector<16xf32>
          %add3A_1103 = arith.addf %scan3A_1040, %select_n3A_1102 : vector<16xf32>
          %gt3A_1104 = arith.constant 0.000000e+00 : f32
          %gt3A_1105 = vector.broadcast %gt3A_1104 : f32 to vector<16xf32>
          %gt3A_1106 = arith.cmpf ogt, %sub3A_1063, %gt3A_1105 : vector<16xf32>
          %jit3A_1107 = arith.constant 1.000000e+00 : f32
          %jit3A_1108 = arith.constant 0.000000e+00 : f32
          %broadcast_in_dim3A_1109 = vector.broadcast %jit3A_1107 : f32 to vector<16xf32>
          %broadcast_in_dim3A_1110 = vector.broadcast %jit3A_1108 : f32 to vector<16xf32>
          %select_n3A_1111 = arith.select %gt3A_1106, %broadcast_in_dim3A_1109, %broadcast_in_dim3A_1110 : vector<16xi1>, vector<16xf32>
          %add3A_1112 = arith.addf %scan3A_1041, %select_n3A_1111 : vector<16xf32>
          %gt3A_1113 = arith.constant 0.000000e+00 : f32
          %gt3A_1114 = vector.broadcast %gt3A_1113 : f32 to vector<16xf32>
          %gt3A_1115 = arith.cmpf ogt, %sub3A_1070, %gt3A_1114 : vector<16xf32>
          %jit3A_1116 = arith.constant 1.000000e+00 : f32
          %jit3A_1117 = arith.constant 0.000000e+00 : f32
          %broadcast_in_dim3A_1118 = vector.broadcast %jit3A_1116 : f32 to vector<16xf32>
          %broadcast_in_dim3A_1119 = vector.broadcast %jit3A_1117 : f32 to vector<16xf32>
          %select_n3A_1120 = arith.select %gt3A_1115, %broadcast_in_dim3A_1118, %broadcast_in_dim3A_1119 : vector<16xi1>, vector<16xf32>
          %add3A_1121 = arith.addf %scan3A_1042, %select_n3A_1120 : vector<16xf32>
          scf.yield %add3A_1074, %add3A_1078, %add3A_1082, %add3A_1086, %add3A_1094, %add3A_1103, %add3A_1112, %add3A_1121 : vector<16xf32>, vector<16xf32>, vector<16xf32>, vector<16xf32>, vector<16xf32>, vector<16xf32>, vector<16xf32>, vector<16xf32>
        }
        %scan3A_83 = arith.constant 16 : i32
        %add3A_84 = arith.addf %scan3A_82#0, %scan3A_82#1 : vector<16xf32>
        %add3A_85 = arith.addf %scan3A_82#2, %scan3A_82#3 : vector<16xf32>
        %add3A_86 = arith.addf %add3A_84, %add3A_85 : vector<16xf32>
        %add3A_87 = arith.addf %scan3A_82#4, %scan3A_82#5 : vector<16xf32>
        %add3A_88 = arith.addf %scan3A_82#6, %scan3A_82#7 : vector<16xf32>
        %add3A_89 = arith.addf %add3A_87, %add3A_88 : vector<16xf32>
        %sub3A_90 = arith.constant 1.000000e+00 : f32
        %sub3A_91 = vector.broadcast %sub3A_90 : f32 to vector<16xf32>
        %sub3A_92 = arith.subf %add3A_86, %sub3A_91 : vector<16xf32>
        %max3A_93 = arith.constant 1.000000e+00 : f32
        %max3A_94 = vector.broadcast %max3A_93 : f32 to vector<16xf32>
        %max3A_95 = arith.maximumf %add3A_89, %max3A_94 : vector<16xf32>
        %div3A_96 = arith.divf %sub3A_92, %max3A_95 : vector<16xf32>
        %add3A_97 = arith.addf %scan3A_74#0, %div3A_96 : vector<16xf32>
        %min3A = arith.minimumf %add3A_97, %scan3A_74#1 : vector<16xf32>
        %broadcast_in_dim3A_98 = arith.constant 0.000000e+00 : f32
        %broadcast_in_dim3A_99 = vector.broadcast %broadcast_in_dim3A_98 : f32 to vector<16xf32>
        %scan3A_100 = arith.constant 0 : i32
        %scan3A_101 = arith.constant 16 : i32
        %scan3A_102 = arith.addi %scan3A_100, %scan3A_101 : i32
        %scan3A_103 = arith.constant 1 : i32
        %scan3A_104:8 = scf.for %scan3A_1034 = %scan3A_100 to %scan3A_102 step %scan3A_103 iter_args(%scan3A_1035 = %broadcast_in_dim3A_99, %scan3A_1036 = %broadcast_in_dim3A_99, %scan3A_1037 = %broadcast_in_dim3A_99, %scan3A_1038 = %broadcast_in_dim3A_99, %scan3A_1039 = %broadcast_in_dim3A_99, %scan3A_1040 = %broadcast_in_dim3A_99, %scan3A_1041 = %broadcast_in_dim3A_99, %scan3A_1042 = %broadcast_in_dim3A_99) -> (vector<16xf32>, vector<16xf32>, vector<16xf32>, vector<16xf32>, vector<16xf32>, vector<16xf32>, vector<16xf32>, vector<16xf32>)  : i32 {
          %mul3A_1043 = arith.constant 4 : i32
          %mul3A_1044 = arith.muli %scan3A_1034, %mul3A_1043 : i32
          %get3A_1045 = arith.index_cast %mul3A_1044 : i32 to index
          %get3A_1046 = arith.index_cast %mul3A_54 : i32 to index
          %get3A_1047 = tpu.vector_load %arg5[%get3A_1045, %get3A_1046] {strides = array<i32>} : memref<64x896xf32, #tpu.memory_space<vmem>>, vector<1x16xf32>,
          %get3A_1048 = vector.shape_cast %get3A_1047 : vector<1x16xf32> to vector<16xf32>
          %sub3A_1049 = arith.subf %get3A_1048, %min3A : vector<16xf32>
          %add3A_1050 = arith.constant 1 : i32
          %add3A_1051 = arith.addi %mul3A_1044, %add3A_1050 : i32
          %get3A_1052 = arith.index_cast %add3A_1051 : i32 to index
          %get3A_1053 = arith.index_cast %mul3A_54 : i32 to index
          %get3A_1054 = tpu.vector_load %arg5[%get3A_1052, %get3A_1053] {strides = array<i32>} : memref<64x896xf32, #tpu.memory_space<vmem>>, vector<1x16xf32>,
          %get3A_1055 = vector.shape_cast %get3A_1054 : vector<1x16xf32> to vector<16xf32>
          %sub3A_1056 = arith.subf %get3A_1055, %min3A : vector<16xf32>
          %add3A_1057 = arith.constant 2 : i32
          %add3A_1058 = arith.addi %mul3A_1044, %add3A_1057 : i32
          %get3A_1059 = arith.index_cast %add3A_1058 : i32 to index
          %get3A_1060 = arith.index_cast %mul3A_54 : i32 to index
          %get3A_1061 = tpu.vector_load %arg5[%get3A_1059, %get3A_1060] {strides = array<i32>} : memref<64x896xf32, #tpu.memory_space<vmem>>, vector<1x16xf32>,
          %get3A_1062 = vector.shape_cast %get3A_1061 : vector<1x16xf32> to vector<16xf32>
          %sub3A_1063 = arith.subf %get3A_1062, %min3A : vector<16xf32>
          %add3A_1064 = arith.constant 3 : i32
          %add3A_1065 = arith.addi %mul3A_1044, %add3A_1064 : i32
          %get3A_1066 = arith.index_cast %add3A_1065 : i32 to index
          %get3A_1067 = arith.index_cast %mul3A_54 : i32 to index
          %get3A_1068 = tpu.vector_load %arg5[%get3A_1066, %get3A_1067] {strides = array<i32>} : memref<64x896xf32, #tpu.memory_space<vmem>>, vector<1x16xf32>,
          %get3A_1069 = vector.shape_cast %get3A_1068 : vector<1x16xf32> to vector<16xf32>
          %sub3A_1070 = arith.subf %get3A_1069, %min3A : vector<16xf32>
          %max3A_1071 = arith.constant 0.000000e+00 : f32
          %max3A_1072 = vector.broadcast %max3A_1071 : f32 to vector<16xf32>
          %max3A_1073 = arith.maximumf %sub3A_1049, %max3A_1072 : vector<16xf32>
          %add3A_1074 = arith.addf %scan3A_1035, %max3A_1073 : vector<16xf32>
          %max3A_1075 = arith.constant 0.000000e+00 : f32
          %max3A_1076 = vector.broadcast %max3A_1075 : f32 to vector<16xf32>
          %max3A_1077 = arith.maximumf %sub3A_1056, %max3A_1076 : vector<16xf32>
          %add3A_1078 = arith.addf %scan3A_1036, %max3A_1077 : vector<16xf32>
          %max3A_1079 = arith.constant 0.000000e+00 : f32
          %max3A_1080 = vector.broadcast %max3A_1079 : f32 to vector<16xf32>
          %max3A_1081 = arith.maximumf %sub3A_1063, %max3A_1080 : vector<16xf32>
          %add3A_1082 = arith.addf %scan3A_1037, %max3A_1081 : vector<16xf32>
          %max3A_1083 = arith.constant 0.000000e+00 : f32
          %max3A_1084 = vector.broadcast %max3A_1083 : f32 to vector<16xf32>
          %max3A_1085 = arith.maximumf %sub3A_1070, %max3A_1084 : vector<16xf32>
          %add3A_1086 = arith.addf %scan3A_1038, %max3A_1085 : vector<16xf32>
          %gt3A = arith.constant 0.000000e+00 : f32
          %gt3A_1087 = vector.broadcast %gt3A : f32 to vector<16xf32>
          %gt3A_1088 = arith.cmpf ogt, %sub3A_1049, %gt3A_1087 : vector<16xf32>
          %jit3A_1089 = arith.constant 1.000000e+00 : f32
          %jit3A_1090 = arith.constant 0.000000e+00 : f32
          %broadcast_in_dim3A_1091 = vector.broadcast %jit3A_1089 : f32 to vector<16xf32>
          %broadcast_in_dim3A_1092 = vector.broadcast %jit3A_1090 : f32 to vector<16xf32>
          %select_n3A_1093 = arith.select %gt3A_1088, %broadcast_in_dim3A_1091, %broadcast_in_dim3A_1092 : vector<16xi1>, vector<16xf32>
          %add3A_1094 = arith.addf %scan3A_1039, %select_n3A_1093 : vector<16xf32>
          %gt3A_1095 = arith.constant 0.000000e+00 : f32
          %gt3A_1096 = vector.broadcast %gt3A_1095 : f32 to vector<16xf32>
          %gt3A_1097 = arith.cmpf ogt, %sub3A_1056, %gt3A_1096 : vector<16xf32>
          %jit3A_1098 = arith.constant 1.000000e+00 : f32
          %jit3A_1099 = arith.constant 0.000000e+00 : f32
          %broadcast_in_dim3A_1100 = vector.broadcast %jit3A_1098 : f32 to vector<16xf32>
          %broadcast_in_dim3A_1101 = vector.broadcast %jit3A_1099 : f32 to vector<16xf32>
          %select_n3A_1102 = arith.select %gt3A_1097, %broadcast_in_dim3A_1100, %broadcast_in_dim3A_1101 : vector<16xi1>, vector<16xf32>
          %add3A_1103 = arith.addf %scan3A_1040, %select_n3A_1102 : vector<16xf32>
          %gt3A_1104 = arith.constant 0.000000e+00 : f32
          %gt3A_1105 = vector.broadcast %gt3A_1104 : f32 to vector<16xf32>
          %gt3A_1106 = arith.cmpf ogt, %sub3A_1063, %gt3A_1105 : vector<16xf32>
          %jit3A_1107 = arith.constant 1.000000e+00 : f32
          %jit3A_1108 = arith.constant 0.000000e+00 : f32
          %broadcast_in_dim3A_1109 = vector.broadcast %jit3A_1107 : f32 to vector<16xf32>
          %broadcast_in_dim3A_1110 = vector.broadcast %jit3A_1108 : f32 to vector<16xf32>
          %select_n3A_1111 = arith.select %gt3A_1106, %broadcast_in_dim3A_1109, %broadcast_in_dim3A_1110 : vector<16xi1>, vector<16xf32>
          %add3A_1112 = arith.addf %scan3A_1041, %select_n3A_1111 : vector<16xf32>
          %gt3A_1113 = arith.constant 0.000000e+00 : f32
          %gt3A_1114 = vector.broadcast %gt3A_1113 : f32 to vector<16xf32>
          %gt3A_1115 = arith.cmpf ogt, %sub3A_1070, %gt3A_1114 : vector<16xf32>
          %jit3A_1116 = arith.constant 1.000000e+00 : f32
          %jit3A_1117 = arith.constant 0.000000e+00 : f32
          %broadcast_in_dim3A_1118 = vector.broadcast %jit3A_1116 : f32 to vector<16xf32>
          %broadcast_in_dim3A_1119 = vector.broadcast %jit3A_1117 : f32 to vector<16xf32>
          %select_n3A_1120 = arith.select %gt3A_1115, %broadcast_in_dim3A_1118, %broadcast_in_dim3A_1119 : vector<16xi1>, vector<16xf32>
          %add3A_1121 = arith.addf %scan3A_1042, %select_n3A_1120 : vector<16xf32>
          scf.yield %add3A_1074, %add3A_1078, %add3A_1082, %add3A_1086, %add3A_1094, %add3A_1103, %add3A_1112, %add3A_1121 : vector<16xf32>, vector<16xf32>, vector<16xf32>, vector<16xf32>, vector<16xf32>, vector<16xf32>, vector<16xf32>, vector<16xf32>
        }
        %scan3A_105 = arith.constant 16 : i32
        %add3A_106 = arith.addf %scan3A_104#0, %scan3A_104#1 : vector<16xf32>
        %add3A_107 = arith.addf %scan3A_104#2, %scan3A_104#3 : vector<16xf32>
        %add3A_108 = arith.addf %add3A_106, %add3A_107 : vector<16xf32>
        %add3A_109 = arith.addf %scan3A_104#4, %scan3A_104#5 : vector<16xf32>
        %add3A_110 = arith.addf %scan3A_104#6, %scan3A_104#7 : vector<16xf32>
        %add3A_111 = arith.addf %add3A_109, %add3A_110 : vector<16xf32>
        %sub3A_112 = arith.constant 1.000000e+00 : f32
        %sub3A_113 = vector.broadcast %sub3A_112 : f32 to vector<16xf32>
        %sub3A_114 = arith.subf %add3A_108, %sub3A_113 : vector<16xf32>
        %max3A_115 = arith.constant 1.000000e+00 : f32
        %max3A_116 = vector.broadcast %max3A_115 : f32 to vector<16xf32>
        %max3A_117 = arith.maximumf %add3A_111, %max3A_116 : vector<16xf32>
        %div3A_118 = arith.divf %sub3A_114, %max3A_117 : vector<16xf32>
        %add3A_119 = arith.addf %min3A, %div3A_118 : vector<16xf32>
        %min3A_120 = arith.minimumf %add3A_119, %scan3A_74#1 : vector<16xf32>
        %broadcast_in_dim3A_121 = arith.constant 0.000000e+00 : f32
        %broadcast_in_dim3A_122 = vector.broadcast %broadcast_in_dim3A_121 : f32 to vector<16xf32>
        %get3A = arith.constant 0 : index
        %get3A_123 = tpu.vector_load %arg7[%get3A] {strides = array<i32>} : memref<64xf32, #tpu.memory_space<vmem>>, vector<16xf32>,
        %get3A_124 = vector.shape_cast %get3A_123 : vector<16xf32> to vector<16xf32>
        %get3A_125 = arith.constant 0 : i32
        %get3A_126 = arith.index_cast %get3A_125 : i32 to index
        %get3A_127 = arith.index_cast %mul3A_54 : i32 to index
        %get3A_128 = tpu.vector_load %arg5[%get3A_126, %get3A_127] {strides = array<i32>} : memref<64x896xf32, #tpu.memory_space<vmem>>, vector<1x16xf32>,
        %get3A_129 = vector.shape_cast %get3A_128 : vector<1x16xf32> to vector<16xf32>
        %sub3A_130 = arith.subf %get3A_129, %min3A_120 : vector<16xf32>
        %max3A_131 = arith.constant 0.000000e+00 : f32
        %max3A_132 = vector.broadcast %max3A_131 : f32 to vector<16xf32>
        %max3A_133 = arith.maximumf %sub3A_130, %max3A_132 : vector<16xf32>
        %slice3A = vector.extract_strided_slice %get3A_124 {offsets = [0], sizes = [1], strides = [1]} : vector<16xf32> to vector<1xf32>
        %squeeze3A = vector.extract %slice3A[0] : f32 from vector<1xf32>
        %mul3A_134 = vector.broadcast %squeeze3A : f32 to vector<16xf32>
        %mul3A_135 = arith.mulf %max3A_133, %mul3A_134 : vector<16xf32>
        %add3A_136 = arith.addf %broadcast_in_dim3A_122, %mul3A_135 : vector<16xf32>
        %get3A_137 = arith.constant 1 : i32
        %get3A_138 = arith.index_cast %get3A_137 : i32 to index
        %get3A_139 = arith.index_cast %mul3A_54 : i32 to index
        %get3A_140 = tpu.vector_load %arg5[%get3A_138, %get3A_139] {strides = array<i32>} : memref<64x896xf32, #tpu.memory_space<vmem>>, vector<1x16xf32>,
        %get3A_141 = vector.shape_cast %get3A_140 : vector<1x16xf32> to vector<16xf32>
        %sub3A_142 = arith.subf %get3A_141, %min3A_120 : vector<16xf32>
        %max3A_143 = arith.constant 0.000000e+00 : f32
        %max3A_144 = vector.broadcast %max3A_143 : f32 to vector<16xf32>
        %max3A_145 = arith.maximumf %sub3A_142, %max3A_144 : vector<16xf32>
        %slice3A_146 = vector.extract_strided_slice %get3A_124 {offsets = [1], sizes = [1], strides = [1]} : vector<16xf32> to vector<1xf32>
        %squeeze3A_147 = vector.extract %slice3A_146[0] : f32 from vector<1xf32>
        %mul3A_148 = vector.broadcast %squeeze3A_147 : f32 to vector<16xf32>
        %mul3A_149 = arith.mulf %max3A_145, %mul3A_148 : vector<16xf32>
        %add3A_150 = arith.addf %broadcast_in_dim3A_122, %mul3A_149 : vector<16xf32>
        %get3A_151 = arith.constant 2 : i32
        %get3A_152 = arith.index_cast %get3A_151 : i32 to index
        %get3A_153 = arith.index_cast %mul3A_54 : i32 to index
        %get3A_154 = tpu.vector_load %arg5[%get3A_152, %get3A_153] {strides = array<i32>} : memref<64x896xf32, #tpu.memory_space<vmem>>, vector<1x16xf32>,
        %get3A_155 = vector.shape_cast %get3A_154 : vector<1x16xf32> to vector<16xf32>
        %sub3A_156 = arith.subf %get3A_155, %min3A_120 : vector<16xf32>
        %max3A_157 = arith.constant 0.000000e+00 : f32
        %max3A_158 = vector.broadcast %max3A_157 : f32 to vector<16xf32>
        %max3A_159 = arith.maximumf %sub3A_156, %max3A_158 : vector<16xf32>
        %slice3A_160 = vector.extract_strided_slice %get3A_124 {offsets = [2], sizes = [1], strides = [1]} : vector<16xf32> to vector<1xf32>
        %squeeze3A_161 = vector.extract %slice3A_160[0] : f32 from vector<1xf32>
        %mul3A_162 = vector.broadcast %squeeze3A_161 : f32 to vector<16xf32>
        %mul3A_163 = arith.mulf %max3A_159, %mul3A_162 : vector<16xf32>
        %add3A_164 = arith.addf %broadcast_in_dim3A_122, %mul3A_163 : vector<16xf32>
        %get3A_165 = arith.constant 3 : i32
        %get3A_166 = arith.index_cast %get3A_165 : i32 to index
        %get3A_167 = arith.index_cast %mul3A_54 : i32 to index
        %get3A_168 = tpu.vector_load %arg5[%get3A_166, %get3A_167] {strides = array<i32>} : memref<64x896xf32, #tpu.memory_space<vmem>>, vector<1x16xf32>,
        %get3A_169 = vector.shape_cast %get3A_168 : vector<1x16xf32> to vector<16xf32>
        %sub3A_170 = arith.subf %get3A_169, %min3A_120 : vector<16xf32>
        %max3A_171 = arith.constant 0.000000e+00 : f32
        %max3A_172 = vector.broadcast %max3A_171 : f32 to vector<16xf32>
        %max3A_173 = arith.maximumf %sub3A_170, %max3A_172 : vector<16xf32>
        %slice3A_174 = vector.extract_strided_slice %get3A_124 {offsets = [3], sizes = [1], strides = [1]} : vector<16xf32> to vector<1xf32>
        %squeeze3A_175 = vector.extract %slice3A_174[0] : f32 from vector<1xf32>
        %mul3A_176 = vector.broadcast %squeeze3A_175 : f32 to vector<16xf32>
        %mul3A_177 = arith.mulf %max3A_173, %mul3A_176 : vector<16xf32>
        %add3A_178 = arith.addf %broadcast_in_dim3A_122, %mul3A_177 : vector<16xf32>
        %get3A_179 = arith.constant 4 : i32
        %get3A_180 = arith.index_cast %get3A_179 : i32 to index
        %get3A_181 = arith.index_cast %mul3A_54 : i32 to index
        %get3A_182 = tpu.vector_load %arg5[%get3A_180, %get3A_181] {strides = array<i32>} : memref<64x896xf32, #tpu.memory_space<vmem>>, vector<1x16xf32>,
        %get3A_183 = vector.shape_cast %get3A_182 : vector<1x16xf32> to vector<16xf32>
        %sub3A_184 = arith.subf %get3A_183, %min3A_120 : vector<16xf32>
        %max3A_185 = arith.constant 0.000000e+00 : f32
        %max3A_186 = vector.broadcast %max3A_185 : f32 to vector<16xf32>
        %max3A_187 = arith.maximumf %sub3A_184, %max3A_186 : vector<16xf32>
        %slice3A_188 = vector.extract_strided_slice %get3A_124 {offsets = [4], sizes = [1], strides = [1]} : vector<16xf32> to vector<1xf32>
        %squeeze3A_189 = vector.extract %slice3A_188[0] : f32 from vector<1xf32>
        %mul3A_190 = vector.broadcast %squeeze3A_189 : f32 to vector<16xf32>
        %mul3A_191 = arith.mulf %max3A_187, %mul3A_190 : vector<16xf32>
        %add3A_192 = arith.addf %add3A_136, %mul3A_191 : vector<16xf32>
        %get3A_193 = arith.constant 5 : i32
        %get3A_194 = arith.index_cast %get3A_193 : i32 to index
        %get3A_195 = arith.index_cast %mul3A_54 : i32 to index
        %get3A_196 = tpu.vector_load %arg5[%get3A_194, %get3A_195] {strides = array<i32>} : memref<64x896xf32, #tpu.memory_space<vmem>>, vector<1x16xf32>,
        %get3A_197 = vector.shape_cast %get3A_196 : vector<1x16xf32> to vector<16xf32>
        %sub3A_198 = arith.subf %get3A_197, %min3A_120 : vector<16xf32>
        %max3A_199 = arith.constant 0.000000e+00 : f32
        %max3A_200 = vector.broadcast %max3A_199 : f32 to vector<16xf32>
        %max3A_201 = arith.maximumf %sub3A_198, %max3A_200 : vector<16xf32>
        %slice3A_202 = vector.extract_strided_slice %get3A_124 {offsets = [5], sizes = [1], strides = [1]} : vector<16xf32> to vector<1xf32>
        %squeeze3A_203 = vector.extract %slice3A_202[0] : f32 from vector<1xf32>
        %mul3A_204 = vector.broadcast %squeeze3A_203 : f32 to vector<16xf32>
        %mul3A_205 = arith.mulf %max3A_201, %mul3A_204 : vector<16xf32>
        %add3A_206 = arith.addf %add3A_150, %mul3A_205 : vector<16xf32>
        %get3A_207 = arith.constant 6 : i32
        %get3A_208 = arith.index_cast %get3A_207 : i32 to index
        %get3A_209 = arith.index_cast %mul3A_54 : i32 to index
        %get3A_210 = tpu.vector_load %arg5[%get3A_208, %get3A_209] {strides = array<i32>} : memref<64x896xf32, #tpu.memory_space<vmem>>, vector<1x16xf32>,
        %get3A_211 = vector.shape_cast %get3A_210 : vector<1x16xf32> to vector<16xf32>
        %sub3A_212 = arith.subf %get3A_211, %min3A_120 : vector<16xf32>
        %max3A_213 = arith.constant 0.000000e+00 : f32
        %max3A_214 = vector.broadcast %max3A_213 : f32 to vector<16xf32>
        %max3A_215 = arith.maximumf %sub3A_212, %max3A_214 : vector<16xf32>
        %slice3A_216 = vector.extract_strided_slice %get3A_124 {offsets = [6], sizes = [1], strides = [1]} : vector<16xf32> to vector<1xf32>
        %squeeze3A_217 = vector.extract %slice3A_216[0] : f32 from vector<1xf32>
        %mul3A_218 = vector.broadcast %squeeze3A_217 : f32 to vector<16xf32>
        %mul3A_219 = arith.mulf %max3A_215, %mul3A_218 : vector<16xf32>
        %add3A_220 = arith.addf %add3A_164, %mul3A_219 : vector<16xf32>
        %get3A_221 = arith.constant 7 : i32
        %get3A_222 = arith.index_cast %get3A_221 : i32 to index
        %get3A_223 = arith.index_cast %mul3A_54 : i32 to index
        %get3A_224 = tpu.vector_load %arg5[%get3A_222, %get3A_223] {strides = array<i32>} : memref<64x896xf32, #tpu.memory_space<vmem>>, vector<1x16xf32>,
        %get3A_225 = vector.shape_cast %get3A_224 : vector<1x16xf32> to vector<16xf32>
        %sub3A_226 = arith.subf %get3A_225, %min3A_120 : vector<16xf32>
        %max3A_227 = arith.constant 0.000000e+00 : f32
        %max3A_228 = vector.broadcast %max3A_227 : f32 to vector<16xf32>
        %max3A_229 = arith.maximumf %sub3A_226, %max3A_228 : vector<16xf32>
        %slice3A_230 = vector.extract_strided_slice %get3A_124 {offsets = [7], sizes = [1], strides = [1]} : vector<16xf32> to vector<1xf32>
        %squeeze3A_231 = vector.extract %slice3A_230[0] : f32 from vector<1xf32>
        %mul3A_232 = vector.broadcast %squeeze3A_231 : f32 to vector<16xf32>
        %mul3A_233 = arith.mulf %max3A_229, %mul3A_232 : vector<16xf32>
        %add3A_234 = arith.addf %add3A_178, %mul3A_233 : vector<16xf32>
        %get3A_235 = arith.constant 8 : i32
        %get3A_236 = arith.index_cast %get3A_235 : i32 to index
        %get3A_237 = arith.index_cast %mul3A_54 : i32 to index
        %get3A_238 = tpu.vector_load %arg5[%get3A_236, %get3A_237] {strides = array<i32>} : memref<64x896xf32, #tpu.memory_space<vmem>>, vector<1x16xf32>,
        %get3A_239 = vector.shape_cast %get3A_238 : vector<1x16xf32> to vector<16xf32>
        %sub3A_240 = arith.subf %get3A_239, %min3A_120 : vector<16xf32>
        %max3A_241 = arith.constant 0.000000e+00 : f32
        %max3A_242 = vector.broadcast %max3A_241 : f32 to vector<16xf32>
        %max3A_243 = arith.maximumf %sub3A_240, %max3A_242 : vector<16xf32>
        %slice3A_244 = vector.extract_strided_slice %get3A_124 {offsets = [8], sizes = [1], strides = [1]} : vector<16xf32> to vector<1xf32>
        %squeeze3A_245 = vector.extract %slice3A_244[0] : f32 from vector<1xf32>
        %mul3A_246 = vector.broadcast %squeeze3A_245 : f32 to vector<16xf32>
        %mul3A_247 = arith.mulf %max3A_243, %mul3A_246 : vector<16xf32>
        %add3A_248 = arith.addf %add3A_192, %mul3A_247 : vector<16xf32>
        %get3A_249 = arith.constant 9 : i32
        %get3A_250 = arith.index_cast %get3A_249 : i32 to index
        %get3A_251 = arith.index_cast %mul3A_54 : i32 to index
        %get3A_252 = tpu.vector_load %arg5[%get3A_250, %get3A_251] {strides = array<i32>} : memref<64x896xf32, #tpu.memory_space<vmem>>, vector<1x16xf32>,
        %get3A_253 = vector.shape_cast %get3A_252 : vector<1x16xf32> to vector<16xf32>
        %sub3A_254 = arith.subf %get3A_253, %min3A_120 : vector<16xf32>
        %max3A_255 = arith.constant 0.000000e+00 : f32
        %max3A_256 = vector.broadcast %max3A_255 : f32 to vector<16xf32>
        %max3A_257 = arith.maximumf %sub3A_254, %max3A_256 : vector<16xf32>
        %slice3A_258 = vector.extract_strided_slice %get3A_124 {offsets = [9], sizes = [1], strides = [1]} : vector<16xf32> to vector<1xf32>
        %squeeze3A_259 = vector.extract %slice3A_258[0] : f32 from vector<1xf32>
        %mul3A_260 = vector.broadcast %squeeze3A_259 : f32 to vector<16xf32>
        %mul3A_261 = arith.mulf %max3A_257, %mul3A_260 : vector<16xf32>
        %add3A_262 = arith.addf %add3A_206, %mul3A_261 : vector<16xf32>
        %get3A_263 = arith.constant 10 : i32
        %get3A_264 = arith.index_cast %get3A_263 : i32 to index
        %get3A_265 = arith.index_cast %mul3A_54 : i32 to index
        %get3A_266 = tpu.vector_load %arg5[%get3A_264, %get3A_265] {strides = array<i32>} : memref<64x896xf32, #tpu.memory_space<vmem>>, vector<1x16xf32>,
        %get3A_267 = vector.shape_cast %get3A_266 : vector<1x16xf32> to vector<16xf32>
        %sub3A_268 = arith.subf %get3A_267, %min3A_120 : vector<16xf32>
        %max3A_269 = arith.constant 0.000000e+00 : f32
        %max3A_270 = vector.broadcast %max3A_269 : f32 to vector<16xf32>
        %max3A_271 = arith.maximumf %sub3A_268, %max3A_270 : vector<16xf32>
        %slice3A_272 = vector.extract_strided_slice %get3A_124 {offsets = [10], sizes = [1], strides = [1]} : vector<16xf32> to vector<1xf32>
        %squeeze3A_273 = vector.extract %slice3A_272[0] : f32 from vector<1xf32>
        %mul3A_274 = vector.broadcast %squeeze3A_273 : f32 to vector<16xf32>
        %mul3A_275 = arith.mulf %max3A_271, %mul3A_274 : vector<16xf32>
        %add3A_276 = arith.addf %add3A_220, %mul3A_275 : vector<16xf32>
        %get3A_277 = arith.constant 11 : i32
        %get3A_278 = arith.index_cast %get3A_277 : i32 to index
        %get3A_279 = arith.index_cast %mul3A_54 : i32 to index
        %get3A_280 = tpu.vector_load %arg5[%get3A_278, %get3A_279] {strides = array<i32>} : memref<64x896xf32, #tpu.memory_space<vmem>>, vector<1x16xf32>,
        %get3A_281 = vector.shape_cast %get3A_280 : vector<1x16xf32> to vector<16xf32>
        %sub3A_282 = arith.subf %get3A_281, %min3A_120 : vector<16xf32>
        %max3A_283 = arith.constant 0.000000e+00 : f32
        %max3A_284 = vector.broadcast %max3A_283 : f32 to vector<16xf32>
        %max3A_285 = arith.maximumf %sub3A_282, %max3A_284 : vector<16xf32>
        %slice3A_286 = vector.extract_strided_slice %get3A_124 {offsets = [11], sizes = [1], strides = [1]} : vector<16xf32> to vector<1xf32>
        %squeeze3A_287 = vector.extract %slice3A_286[0] : f32 from vector<1xf32>
        %mul3A_288 = vector.broadcast %squeeze3A_287 : f32 to vector<16xf32>
        %mul3A_289 = arith.mulf %max3A_285, %mul3A_288 : vector<16xf32>
        %add3A_290 = arith.addf %add3A_234, %mul3A_289 : vector<16xf32>
        %get3A_291 = arith.constant 12 : i32
        %get3A_292 = arith.index_cast %get3A_291 : i32 to index
        %get3A_293 = arith.index_cast %mul3A_54 : i32 to index
        %get3A_294 = tpu.vector_load %arg5[%get3A_292, %get3A_293] {strides = array<i32>} : memref<64x896xf32, #tpu.memory_space<vmem>>, vector<1x16xf32>,
        %get3A_295 = vector.shape_cast %get3A_294 : vector<1x16xf32> to vector<16xf32>
        %sub3A_296 = arith.subf %get3A_295, %min3A_120 : vector<16xf32>
        %max3A_297 = arith.constant 0.000000e+00 : f32
        %max3A_298 = vector.broadcast %max3A_297 : f32 to vector<16xf32>
        %max3A_299 = arith.maximumf %sub3A_296, %max3A_298 : vector<16xf32>
        %slice3A_300 = vector.extract_strided_slice %get3A_124 {offsets = [12], sizes = [1], strides = [1]} : vector<16xf32> to vector<1xf32>
        %squeeze3A_301 = vector.extract %slice3A_300[0] : f32 from vector<1xf32>
        %mul3A_302 = vector.broadcast %squeeze3A_301 : f32 to vector<16xf32>
        %mul3A_303 = arith.mulf %max3A_299, %mul3A_302 : vector<16xf32>
        %add3A_304 = arith.addf %add3A_248, %mul3A_303 : vector<16xf32>
        %get3A_305 = arith.constant 13 : i32
        %get3A_306 = arith.index_cast %get3A_305 : i32 to index
        %get3A_307 = arith.index_cast %mul3A_54 : i32 to index
        %get3A_308 = tpu.vector_load %arg5[%get3A_306, %get3A_307] {strides = array<i32>} : memref<64x896xf32, #tpu.memory_space<vmem>>, vector<1x16xf32>,
        %get3A_309 = vector.shape_cast %get3A_308 : vector<1x16xf32> to vector<16xf32>
        %sub3A_310 = arith.subf %get3A_309, %min3A_120 : vector<16xf32>
        %max3A_311 = arith.constant 0.000000e+00 : f32
        %max3A_312 = vector.broadcast %max3A_311 : f32 to vector<16xf32>
        %max3A_313 = arith.maximumf %sub3A_310, %max3A_312 : vector<16xf32>
        %slice3A_314 = vector.extract_strided_slice %get3A_124 {offsets = [13], sizes = [1], strides = [1]} : vector<16xf32> to vector<1xf32>
        %squeeze3A_315 = vector.extract %slice3A_314[0] : f32 from vector<1xf32>
        %mul3A_316 = vector.broadcast %squeeze3A_315 : f32 to vector<16xf32>
        %mul3A_317 = arith.mulf %max3A_313, %mul3A_316 : vector<16xf32>
        %add3A_318 = arith.addf %add3A_262, %mul3A_317 : vector<16xf32>
        %get3A_319 = arith.constant 14 : i32
        %get3A_320 = arith.index_cast %get3A_319 : i32 to index
        %get3A_321 = arith.index_cast %mul3A_54 : i32 to index
        %get3A_322 = tpu.vector_load %arg5[%get3A_320, %get3A_321] {strides = array<i32>} : memref<64x896xf32, #tpu.memory_space<vmem>>, vector<1x16xf32>,
        %get3A_323 = vector.shape_cast %get3A_322 : vector<1x16xf32> to vector<16xf32>
        %sub3A_324 = arith.subf %get3A_323, %min3A_120 : vector<16xf32>
        %max3A_325 = arith.constant 0.000000e+00 : f32
        %max3A_326 = vector.broadcast %max3A_325 : f32 to vector<16xf32>
        %max3A_327 = arith.maximumf %sub3A_324, %max3A_326 : vector<16xf32>
        %slice3A_328 = vector.extract_strided_slice %get3A_124 {offsets = [14], sizes = [1], strides = [1]} : vector<16xf32> to vector<1xf32>
        %squeeze3A_329 = vector.extract %slice3A_328[0] : f32 from vector<1xf32>
        %mul3A_330 = vector.broadcast %squeeze3A_329 : f32 to vector<16xf32>
        %mul3A_331 = arith.mulf %max3A_327, %mul3A_330 : vector<16xf32>
        %add3A_332 = arith.addf %add3A_276, %mul3A_331 : vector<16xf32>
        %get3A_333 = arith.constant 15 : i32
        %get3A_334 = arith.index_cast %get3A_333 : i32 to index
        %get3A_335 = arith.index_cast %mul3A_54 : i32 to index
        %get3A_336 = tpu.vector_load %arg5[%get3A_334, %get3A_335] {strides = array<i32>} : memref<64x896xf32, #tpu.memory_space<vmem>>, vector<1x16xf32>,
        %get3A_337 = vector.shape_cast %get3A_336 : vector<1x16xf32> to vector<16xf32>
        %sub3A_338 = arith.subf %get3A_337, %min3A_120 : vector<16xf32>
        %max3A_339 = arith.constant 0.000000e+00 : f32
        %max3A_340 = vector.broadcast %max3A_339 : f32 to vector<16xf32>
        %max3A_341 = arith.maximumf %sub3A_338, %max3A_340 : vector<16xf32>
        %slice3A_342 = vector.extract_strided_slice %get3A_124 {offsets = [15], sizes = [1], strides = [1]} : vector<16xf32> to vector<1xf32>
        %squeeze3A_343 = vector.extract %slice3A_342[0] : f32 from vector<1xf32>
        %mul3A_344 = vector.broadcast %squeeze3A_343 : f32 to vector<16xf32>
        %mul3A_345 = arith.mulf %max3A_341, %mul3A_344 : vector<16xf32>
        %add3A_346 = arith.addf %add3A_290, %mul3A_345 : vector<16xf32>
        %get3A_347 = arith.constant 16 : index
        %get3A_348 = tpu.vector_load %arg7[%get3A_347] {strides = array<i32>} : memref<64xf32, #tpu.memory_space<vmem>>, vector<16xf32>,
        %get3A_349 = vector.shape_cast %get3A_348 : vector<16xf32> to vector<16xf32>
        %get3A_350 = arith.constant 16 : i32
        %get3A_351 = arith.index_cast %get3A_350 : i32 to index
        %get3A_352 = arith.index_cast %mul3A_54 : i32 to index
        %get3A_353 = tpu.vector_load %arg5[%get3A_351, %get3A_352] {strides = array<i32>} : memref<64x896xf32, #tpu.memory_space<vmem>>, vector<1x16xf32>,
        %get3A_354 = vector.shape_cast %get3A_353 : vector<1x16xf32> to vector<16xf32>
        %sub3A_355 = arith.subf %get3A_354, %min3A_120 : vector<16xf32>
        %max3A_356 = arith.constant 0.000000e+00 : f32
        %max3A_357 = vector.broadcast %max3A_356 : f32 to vector<16xf32>
        %max3A_358 = arith.maximumf %sub3A_355, %max3A_357 : vector<16xf32>
        %slice3A_359 = vector.extract_strided_slice %get3A_349 {offsets = [0], sizes = [1], strides = [1]} : vector<16xf32> to vector<1xf32>
        %squeeze3A_360 = vector.extract %slice3A_359[0] : f32 from vector<1xf32>
        %mul3A_361 = vector.broadcast %squeeze3A_360 : f32 to vector<16xf32>
        %mul3A_362 = arith.mulf %max3A_358, %mul3A_361 : vector<16xf32>
        %add3A_363 = arith.addf %add3A_304, %mul3A_362 : vector<16xf32>
        %get3A_364 = arith.constant 17 : i32
        %get3A_365 = arith.index_cast %get3A_364 : i32 to index
        %get3A_366 = arith.index_cast %mul3A_54 : i32 to index
        %get3A_367 = tpu.vector_load %arg5[%get3A_365, %get3A_366] {strides = array<i32>} : memref<64x896xf32, #tpu.memory_space<vmem>>, vector<1x16xf32>,
        %get3A_368 = vector.shape_cast %get3A_367 : vector<1x16xf32> to vector<16xf32>
        %sub3A_369 = arith.subf %get3A_368, %min3A_120 : vector<16xf32>
        %max3A_370 = arith.constant 0.000000e+00 : f32
        %max3A_371 = vector.broadcast %max3A_370 : f32 to vector<16xf32>
        %max3A_372 = arith.maximumf %sub3A_369, %max3A_371 : vector<16xf32>
        %slice3A_373 = vector.extract_strided_slice %get3A_349 {offsets = [1], sizes = [1], strides = [1]} : vector<16xf32> to vector<1xf32>
        %squeeze3A_374 = vector.extract %slice3A_373[0] : f32 from vector<1xf32>
        %mul3A_375 = vector.broadcast %squeeze3A_374 : f32 to vector<16xf32>
        %mul3A_376 = arith.mulf %max3A_372, %mul3A_375 : vector<16xf32>
        %add3A_377 = arith.addf %add3A_318, %mul3A_376 : vector<16xf32>
        %get3A_378 = arith.constant 18 : i32
        %get3A_379 = arith.index_cast %get3A_378 : i32 to index
        %get3A_380 = arith.index_cast %mul3A_54 : i32 to index
        %get3A_381 = tpu.vector_load %arg5[%get3A_379, %get3A_380] {strides = array<i32>} : memref<64x896xf32, #tpu.memory_space<vmem>>, vector<1x16xf32>,
        %get3A_382 = vector.shape_cast %get3A_381 : vector<1x16xf32> to vector<16xf32>
        %sub3A_383 = arith.subf %get3A_382, %min3A_120 : vector<16xf32>
        %max3A_384 = arith.constant 0.000000e+00 : f32
        %max3A_385 = vector.broadcast %max3A_384 : f32 to vector<16xf32>
        %max3A_386 = arith.maximumf %sub3A_383, %max3A_385 : vector<16xf32>
        %slice3A_387 = vector.extract_strided_slice %get3A_349 {offsets = [2], sizes = [1], strides = [1]} : vector<16xf32> to vector<1xf32>
        %squeeze3A_388 = vector.extract %slice3A_387[0] : f32 from vector<1xf32>
        %mul3A_389 = vector.broadcast %squeeze3A_388 : f32 to vector<16xf32>
        %mul3A_390 = arith.mulf %max3A_386, %mul3A_389 : vector<16xf32>
        %add3A_391 = arith.addf %add3A_332, %mul3A_390 : vector<16xf32>
        %get3A_392 = arith.constant 19 : i32
        %get3A_393 = arith.index_cast %get3A_392 : i32 to index
        %get3A_394 = arith.index_cast %mul3A_54 : i32 to index
        %get3A_395 = tpu.vector_load %arg5[%get3A_393, %get3A_394] {strides = array<i32>} : memref<64x896xf32, #tpu.memory_space<vmem>>, vector<1x16xf32>,
        %get3A_396 = vector.shape_cast %get3A_395 : vector<1x16xf32> to vector<16xf32>
        %sub3A_397 = arith.subf %get3A_396, %min3A_120 : vector<16xf32>
        %max3A_398 = arith.constant 0.000000e+00 : f32
        %max3A_399 = vector.broadcast %max3A_398 : f32 to vector<16xf32>
        %max3A_400 = arith.maximumf %sub3A_397, %max3A_399 : vector<16xf32>
        %slice3A_401 = vector.extract_strided_slice %get3A_349 {offsets = [3], sizes = [1], strides = [1]} : vector<16xf32> to vector<1xf32>
        %squeeze3A_402 = vector.extract %slice3A_401[0] : f32 from vector<1xf32>
        %mul3A_403 = vector.broadcast %squeeze3A_402 : f32 to vector<16xf32>
        %mul3A_404 = arith.mulf %max3A_400, %mul3A_403 : vector<16xf32>
        %add3A_405 = arith.addf %add3A_346, %mul3A_404 : vector<16xf32>
        %get3A_406 = arith.constant 20 : i32
        %get3A_407 = arith.index_cast %get3A_406 : i32 to index
        %get3A_408 = arith.index_cast %mul3A_54 : i32 to index
        %get3A_409 = tpu.vector_load %arg5[%get3A_407, %get3A_408] {strides = array<i32>} : memref<64x896xf32, #tpu.memory_space<vmem>>, vector<1x16xf32>,
        %get3A_410 = vector.shape_cast %get3A_409 : vector<1x16xf32> to vector<16xf32>
        %sub3A_411 = arith.subf %get3A_410, %min3A_120 : vector<16xf32>
        %max3A_412 = arith.constant 0.000000e+00 : f32
        %max3A_413 = vector.broadcast %max3A_412 : f32 to vector<16xf32>
        %max3A_414 = arith.maximumf %sub3A_411, %max3A_413 : vector<16xf32>
        %slice3A_415 = vector.extract_strided_slice %get3A_349 {offsets = [4], sizes = [1], strides = [1]} : vector<16xf32> to vector<1xf32>
        %squeeze3A_416 = vector.extract %slice3A_415[0] : f32 from vector<1xf32>
        %mul3A_417 = vector.broadcast %squeeze3A_416 : f32 to vector<16xf32>
        %mul3A_418 = arith.mulf %max3A_414, %mul3A_417 : vector<16xf32>
        %add3A_419 = arith.addf %add3A_363, %mul3A_418 : vector<16xf32>
        %get3A_420 = arith.constant 21 : i32
        %get3A_421 = arith.index_cast %get3A_420 : i32 to index
        %get3A_422 = arith.index_cast %mul3A_54 : i32 to index
        %get3A_423 = tpu.vector_load %arg5[%get3A_421, %get3A_422] {strides = array<i32>} : memref<64x896xf32, #tpu.memory_space<vmem>>, vector<1x16xf32>,
        %get3A_424 = vector.shape_cast %get3A_423 : vector<1x16xf32> to vector<16xf32>
        %sub3A_425 = arith.subf %get3A_424, %min3A_120 : vector<16xf32>
        %max3A_426 = arith.constant 0.000000e+00 : f32
        %max3A_427 = vector.broadcast %max3A_426 : f32 to vector<16xf32>
        %max3A_428 = arith.maximumf %sub3A_425, %max3A_427 : vector<16xf32>
        %slice3A_429 = vector.extract_strided_slice %get3A_349 {offsets = [5], sizes = [1], strides = [1]} : vector<16xf32> to vector<1xf32>
        %squeeze3A_430 = vector.extract %slice3A_429[0] : f32 from vector<1xf32>
        %mul3A_431 = vector.broadcast %squeeze3A_430 : f32 to vector<16xf32>
        %mul3A_432 = arith.mulf %max3A_428, %mul3A_431 : vector<16xf32>
        %add3A_433 = arith.addf %add3A_377, %mul3A_432 : vector<16xf32>
        %get3A_434 = arith.constant 22 : i32
        %get3A_435 = arith.index_cast %get3A_434 : i32 to index
        %get3A_436 = arith.index_cast %mul3A_54 : i32 to index
        %get3A_437 = tpu.vector_load %arg5[%get3A_435, %get3A_436] {strides = array<i32>} : memref<64x896xf32, #tpu.memory_space<vmem>>, vector<1x16xf32>,
        %get3A_438 = vector.shape_cast %get3A_437 : vector<1x16xf32> to vector<16xf32>
        %sub3A_439 = arith.subf %get3A_438, %min3A_120 : vector<16xf32>
        %max3A_440 = arith.constant 0.000000e+00 : f32
        %max3A_441 = vector.broadcast %max3A_440 : f32 to vector<16xf32>
        %max3A_442 = arith.maximumf %sub3A_439, %max3A_441 : vector<16xf32>
        %slice3A_443 = vector.extract_strided_slice %get3A_349 {offsets = [6], sizes = [1], strides = [1]} : vector<16xf32> to vector<1xf32>
        %squeeze3A_444 = vector.extract %slice3A_443[0] : f32 from vector<1xf32>
        %mul3A_445 = vector.broadcast %squeeze3A_444 : f32 to vector<16xf32>
        %mul3A_446 = arith.mulf %max3A_442, %mul3A_445 : vector<16xf32>
        %add3A_447 = arith.addf %add3A_391, %mul3A_446 : vector<16xf32>
        %get3A_448 = arith.constant 23 : i32
        %get3A_449 = arith.index_cast %get3A_448 : i32 to index
        %get3A_450 = arith.index_cast %mul3A_54 : i32 to index
        %get3A_451 = tpu.vector_load %arg5[%get3A_449, %get3A_450] {strides = array<i32>} : memref<64x896xf32, #tpu.memory_space<vmem>>, vector<1x16xf32>,
        %get3A_452 = vector.shape_cast %get3A_451 : vector<1x16xf32> to vector<16xf32>
        %sub3A_453 = arith.subf %get3A_452, %min3A_120 : vector<16xf32>
        %max3A_454 = arith.constant 0.000000e+00 : f32
        %max3A_455 = vector.broadcast %max3A_454 : f32 to vector<16xf32>
        %max3A_456 = arith.maximumf %sub3A_453, %max3A_455 : vector<16xf32>
        %slice3A_457 = vector.extract_strided_slice %get3A_349 {offsets = [7], sizes = [1], strides = [1]} : vector<16xf32> to vector<1xf32>
        %squeeze3A_458 = vector.extract %slice3A_457[0] : f32 from vector<1xf32>
        %mul3A_459 = vector.broadcast %squeeze3A_458 : f32 to vector<16xf32>
        %mul3A_460 = arith.mulf %max3A_456, %mul3A_459 : vector<16xf32>
        %add3A_461 = arith.addf %add3A_405, %mul3A_460 : vector<16xf32>
        %get3A_462 = arith.constant 24 : i32
        %get3A_463 = arith.index_cast %get3A_462 : i32 to index
        %get3A_464 = arith.index_cast %mul3A_54 : i32 to index
        %get3A_465 = tpu.vector_load %arg5[%get3A_463, %get3A_464] {strides = array<i32>} : memref<64x896xf32, #tpu.memory_space<vmem>>, vector<1x16xf32>,
        %get3A_466 = vector.shape_cast %get3A_465 : vector<1x16xf32> to vector<16xf32>
        %sub3A_467 = arith.subf %get3A_466, %min3A_120 : vector<16xf32>
        %max3A_468 = arith.constant 0.000000e+00 : f32
        %max3A_469 = vector.broadcast %max3A_468 : f32 to vector<16xf32>
        %max3A_470 = arith.maximumf %sub3A_467, %max3A_469 : vector<16xf32>
        %slice3A_471 = vector.extract_strided_slice %get3A_349 {offsets = [8], sizes = [1], strides = [1]} : vector<16xf32> to vector<1xf32>
        %squeeze3A_472 = vector.extract %slice3A_471[0] : f32 from vector<1xf32>
        %mul3A_473 = vector.broadcast %squeeze3A_472 : f32 to vector<16xf32>
        %mul3A_474 = arith.mulf %max3A_470, %mul3A_473 : vector<16xf32>
        %add3A_475 = arith.addf %add3A_419, %mul3A_474 : vector<16xf32>
        %get3A_476 = arith.constant 25 : i32
        %get3A_477 = arith.index_cast %get3A_476 : i32 to index
        %get3A_478 = arith.index_cast %mul3A_54 : i32 to index
        %get3A_479 = tpu.vector_load %arg5[%get3A_477, %get3A_478] {strides = array<i32>} : memref<64x896xf32, #tpu.memory_space<vmem>>, vector<1x16xf32>,
        %get3A_480 = vector.shape_cast %get3A_479 : vector<1x16xf32> to vector<16xf32>
        %sub3A_481 = arith.subf %get3A_480, %min3A_120 : vector<16xf32>
        %max3A_482 = arith.constant 0.000000e+00 : f32
        %max3A_483 = vector.broadcast %max3A_482 : f32 to vector<16xf32>
        %max3A_484 = arith.maximumf %sub3A_481, %max3A_483 : vector<16xf32>
        %slice3A_485 = vector.extract_strided_slice %get3A_349 {offsets = [9], sizes = [1], strides = [1]} : vector<16xf32> to vector<1xf32>
        %squeeze3A_486 = vector.extract %slice3A_485[0] : f32 from vector<1xf32>
        %mul3A_487 = vector.broadcast %squeeze3A_486 : f32 to vector<16xf32>
        %mul3A_488 = arith.mulf %max3A_484, %mul3A_487 : vector<16xf32>
        %add3A_489 = arith.addf %add3A_433, %mul3A_488 : vector<16xf32>
        %get3A_490 = arith.constant 26 : i32
        %get3A_491 = arith.index_cast %get3A_490 : i32 to index
        %get3A_492 = arith.index_cast %mul3A_54 : i32 to index
        %get3A_493 = tpu.vector_load %arg5[%get3A_491, %get3A_492] {strides = array<i32>} : memref<64x896xf32, #tpu.memory_space<vmem>>, vector<1x16xf32>,
        %get3A_494 = vector.shape_cast %get3A_493 : vector<1x16xf32> to vector<16xf32>
        %sub3A_495 = arith.subf %get3A_494, %min3A_120 : vector<16xf32>
        %max3A_496 = arith.constant 0.000000e+00 : f32
        %max3A_497 = vector.broadcast %max3A_496 : f32 to vector<16xf32>
        %max3A_498 = arith.maximumf %sub3A_495, %max3A_497 : vector<16xf32>
        %slice3A_499 = vector.extract_strided_slice %get3A_349 {offsets = [10], sizes = [1], strides = [1]} : vector<16xf32> to vector<1xf32>
        %squeeze3A_500 = vector.extract %slice3A_499[0] : f32 from vector<1xf32>
        %mul3A_501 = vector.broadcast %squeeze3A_500 : f32 to vector<16xf32>
        %mul3A_502 = arith.mulf %max3A_498, %mul3A_501 : vector<16xf32>
        %add3A_503 = arith.addf %add3A_447, %mul3A_502 : vector<16xf32>
        %get3A_504 = arith.constant 27 : i32
        %get3A_505 = arith.index_cast %get3A_504 : i32 to index
        %get3A_506 = arith.index_cast %mul3A_54 : i32 to index
        %get3A_507 = tpu.vector_load %arg5[%get3A_505, %get3A_506] {strides = array<i32>} : memref<64x896xf32, #tpu.memory_space<vmem>>, vector<1x16xf32>,
        %get3A_508 = vector.shape_cast %get3A_507 : vector<1x16xf32> to vector<16xf32>
        %sub3A_509 = arith.subf %get3A_508, %min3A_120 : vector<16xf32>
        %max3A_510 = arith.constant 0.000000e+00 : f32
        %max3A_511 = vector.broadcast %max3A_510 : f32 to vector<16xf32>
        %max3A_512 = arith.maximumf %sub3A_509, %max3A_511 : vector<16xf32>
        %slice3A_513 = vector.extract_strided_slice %get3A_349 {offsets = [11], sizes = [1], strides = [1]} : vector<16xf32> to vector<1xf32>
        %squeeze3A_514 = vector.extract %slice3A_513[0] : f32 from vector<1xf32>
        %mul3A_515 = vector.broadcast %squeeze3A_514 : f32 to vector<16xf32>
        %mul3A_516 = arith.mulf %max3A_512, %mul3A_515 : vector<16xf32>
        %add3A_517 = arith.addf %add3A_461, %mul3A_516 : vector<16xf32>
        %get3A_518 = arith.constant 28 : i32
        %get3A_519 = arith.index_cast %get3A_518 : i32 to index
        %get3A_520 = arith.index_cast %mul3A_54 : i32 to index
        %get3A_521 = tpu.vector_load %arg5[%get3A_519, %get3A_520] {strides = array<i32>} : memref<64x896xf32, #tpu.memory_space<vmem>>, vector<1x16xf32>,
        %get3A_522 = vector.shape_cast %get3A_521 : vector<1x16xf32> to vector<16xf32>
        %sub3A_523 = arith.subf %get3A_522, %min3A_120 : vector<16xf32>
        %max3A_524 = arith.constant 0.000000e+00 : f32
        %max3A_525 = vector.broadcast %max3A_524 : f32 to vector<16xf32>
        %max3A_526 = arith.maximumf %sub3A_523, %max3A_525 : vector<16xf32>
        %slice3A_527 = vector.extract_strided_slice %get3A_349 {offsets = [12], sizes = [1], strides = [1]} : vector<16xf32> to vector<1xf32>
        %squeeze3A_528 = vector.extract %slice3A_527[0] : f32 from vector<1xf32>
        %mul3A_529 = vector.broadcast %squeeze3A_528 : f32 to vector<16xf32>
        %mul3A_530 = arith.mulf %max3A_526, %mul3A_529 : vector<16xf32>
        %add3A_531 = arith.addf %add3A_475, %mul3A_530 : vector<16xf32>
        %get3A_532 = arith.constant 29 : i32
        %get3A_533 = arith.index_cast %get3A_532 : i32 to index
        %get3A_534 = arith.index_cast %mul3A_54 : i32 to index
        %get3A_535 = tpu.vector_load %arg5[%get3A_533, %get3A_534] {strides = array<i32>} : memref<64x896xf32, #tpu.memory_space<vmem>>, vector<1x16xf32>,
        %get3A_536 = vector.shape_cast %get3A_535 : vector<1x16xf32> to vector<16xf32>
        %sub3A_537 = arith.subf %get3A_536, %min3A_120 : vector<16xf32>
        %max3A_538 = arith.constant 0.000000e+00 : f32
        %max3A_539 = vector.broadcast %max3A_538 : f32 to vector<16xf32>
        %max3A_540 = arith.maximumf %sub3A_537, %max3A_539 : vector<16xf32>
        %slice3A_541 = vector.extract_strided_slice %get3A_349 {offsets = [13], sizes = [1], strides = [1]} : vector<16xf32> to vector<1xf32>
        %squeeze3A_542 = vector.extract %slice3A_541[0] : f32 from vector<1xf32>
        %mul3A_543 = vector.broadcast %squeeze3A_542 : f32 to vector<16xf32>
        %mul3A_544 = arith.mulf %max3A_540, %mul3A_543 : vector<16xf32>
        %add3A_545 = arith.addf %add3A_489, %mul3A_544 : vector<16xf32>
        %get3A_546 = arith.constant 30 : i32
        %get3A_547 = arith.index_cast %get3A_546 : i32 to index
        %get3A_548 = arith.index_cast %mul3A_54 : i32 to index
        %get3A_549 = tpu.vector_load %arg5[%get3A_547, %get3A_548] {strides = array<i32>} : memref<64x896xf32, #tpu.memory_space<vmem>>, vector<1x16xf32>,
        %get3A_550 = vector.shape_cast %get3A_549 : vector<1x16xf32> to vector<16xf32>
        %sub3A_551 = arith.subf %get3A_550, %min3A_120 : vector<16xf32>
        %max3A_552 = arith.constant 0.000000e+00 : f32
        %max3A_553 = vector.broadcast %max3A_552 : f32 to vector<16xf32>
        %max3A_554 = arith.maximumf %sub3A_551, %max3A_553 : vector<16xf32>
        %slice3A_555 = vector.extract_strided_slice %get3A_349 {offsets = [14], sizes = [1], strides = [1]} : vector<16xf32> to vector<1xf32>
        %squeeze3A_556 = vector.extract %slice3A_555[0] : f32 from vector<1xf32>
        %mul3A_557 = vector.broadcast %squeeze3A_556 : f32 to vector<16xf32>
        %mul3A_558 = arith.mulf %max3A_554, %mul3A_557 : vector<16xf32>
        %add3A_559 = arith.addf %add3A_503, %mul3A_558 : vector<16xf32>
        %get3A_560 = arith.constant 31 : i32
        %get3A_561 = arith.index_cast %get3A_560 : i32 to index
        %get3A_562 = arith.index_cast %mul3A_54 : i32 to index
        %get3A_563 = tpu.vector_load %arg5[%get3A_561, %get3A_562] {strides = array<i32>} : memref<64x896xf32, #tpu.memory_space<vmem>>, vector<1x16xf32>,
        %get3A_564 = vector.shape_cast %get3A_563 : vector<1x16xf32> to vector<16xf32>
        %sub3A_565 = arith.subf %get3A_564, %min3A_120 : vector<16xf32>
        %max3A_566 = arith.constant 0.000000e+00 : f32
        %max3A_567 = vector.broadcast %max3A_566 : f32 to vector<16xf32>
        %max3A_568 = arith.maximumf %sub3A_565, %max3A_567 : vector<16xf32>
        %slice3A_569 = vector.extract_strided_slice %get3A_349 {offsets = [15], sizes = [1], strides = [1]} : vector<16xf32> to vector<1xf32>
        %squeeze3A_570 = vector.extract %slice3A_569[0] : f32 from vector<1xf32>
        %mul3A_571 = vector.broadcast %squeeze3A_570 : f32 to vector<16xf32>
        %mul3A_572 = arith.mulf %max3A_568, %mul3A_571 : vector<16xf32>
        %add3A_573 = arith.addf %add3A_517, %mul3A_572 : vector<16xf32>
        %get3A_574 = arith.constant 32 : index
        %get3A_575 = tpu.vector_load %arg7[%get3A_574] {strides = array<i32>} : memref<64xf32, #tpu.memory_space<vmem>>, vector<16xf32>,
        %get3A_576 = vector.shape_cast %get3A_575 : vector<16xf32> to vector<16xf32>
        %get3A_577 = arith.constant 32 : i32
        %get3A_578 = arith.index_cast %get3A_577 : i32 to index
        %get3A_579 = arith.index_cast %mul3A_54 : i32 to index
        %get3A_580 = tpu.vector_load %arg5[%get3A_578, %get3A_579] {strides = array<i32>} : memref<64x896xf32, #tpu.memory_space<vmem>>, vector<1x16xf32>,
        %get3A_581 = vector.shape_cast %get3A_580 : vector<1x16xf32> to vector<16xf32>
        %sub3A_582 = arith.subf %get3A_581, %min3A_120 : vector<16xf32>
        %max3A_583 = arith.constant 0.000000e+00 : f32
        %max3A_584 = vector.broadcast %max3A_583 : f32 to vector<16xf32>
        %max3A_585 = arith.maximumf %sub3A_582, %max3A_584 : vector<16xf32>
        %slice3A_586 = vector.extract_strided_slice %get3A_576 {offsets = [0], sizes = [1], strides = [1]} : vector<16xf32> to vector<1xf32>
        %squeeze3A_587 = vector.extract %slice3A_586[0] : f32 from vector<1xf32>
        %mul3A_588 = vector.broadcast %squeeze3A_587 : f32 to vector<16xf32>
        %mul3A_589 = arith.mulf %max3A_585, %mul3A_588 : vector<16xf32>
        %add3A_590 = arith.addf %add3A_531, %mul3A_589 : vector<16xf32>
        %get3A_591 = arith.constant 33 : i32
        %get3A_592 = arith.index_cast %get3A_591 : i32 to index
        %get3A_593 = arith.index_cast %mul3A_54 : i32 to index
        %get3A_594 = tpu.vector_load %arg5[%get3A_592, %get3A_593] {strides = array<i32>} : memref<64x896xf32, #tpu.memory_space<vmem>>, vector<1x16xf32>,
        %get3A_595 = vector.shape_cast %get3A_594 : vector<1x16xf32> to vector<16xf32>
        %sub3A_596 = arith.subf %get3A_595, %min3A_120 : vector<16xf32>
        %max3A_597 = arith.constant 0.000000e+00 : f32
        %max3A_598 = vector.broadcast %max3A_597 : f32 to vector<16xf32>
        %max3A_599 = arith.maximumf %sub3A_596, %max3A_598 : vector<16xf32>
        %slice3A_600 = vector.extract_strided_slice %get3A_576 {offsets = [1], sizes = [1], strides = [1]} : vector<16xf32> to vector<1xf32>
        %squeeze3A_601 = vector.extract %slice3A_600[0] : f32 from vector<1xf32>
        %mul3A_602 = vector.broadcast %squeeze3A_601 : f32 to vector<16xf32>
        %mul3A_603 = arith.mulf %max3A_599, %mul3A_602 : vector<16xf32>
        %add3A_604 = arith.addf %add3A_545, %mul3A_603 : vector<16xf32>
        %get3A_605 = arith.constant 34 : i32
        %get3A_606 = arith.index_cast %get3A_605 : i32 to index
        %get3A_607 = arith.index_cast %mul3A_54 : i32 to index
        %get3A_608 = tpu.vector_load %arg5[%get3A_606, %get3A_607] {strides = array<i32>} : memref<64x896xf32, #tpu.memory_space<vmem>>, vector<1x16xf32>,
        %get3A_609 = vector.shape_cast %get3A_608 : vector<1x16xf32> to vector<16xf32>
        %sub3A_610 = arith.subf %get3A_609, %min3A_120 : vector<16xf32>
        %max3A_611 = arith.constant 0.000000e+00 : f32
        %max3A_612 = vector.broadcast %max3A_611 : f32 to vector<16xf32>
        %max3A_613 = arith.maximumf %sub3A_610, %max3A_612 : vector<16xf32>
        %slice3A_614 = vector.extract_strided_slice %get3A_576 {offsets = [2], sizes = [1], strides = [1]} : vector<16xf32> to vector<1xf32>
        %squeeze3A_615 = vector.extract %slice3A_614[0] : f32 from vector<1xf32>
        %mul3A_616 = vector.broadcast %squeeze3A_615 : f32 to vector<16xf32>
        %mul3A_617 = arith.mulf %max3A_613, %mul3A_616 : vector<16xf32>
        %add3A_618 = arith.addf %add3A_559, %mul3A_617 : vector<16xf32>
        %get3A_619 = arith.constant 35 : i32
        %get3A_620 = arith.index_cast %get3A_619 : i32 to index
        %get3A_621 = arith.index_cast %mul3A_54 : i32 to index
        %get3A_622 = tpu.vector_load %arg5[%get3A_620, %get3A_621] {strides = array<i32>} : memref<64x896xf32, #tpu.memory_space<vmem>>, vector<1x16xf32>,
        %get3A_623 = vector.shape_cast %get3A_622 : vector<1x16xf32> to vector<16xf32>
        %sub3A_624 = arith.subf %get3A_623, %min3A_120 : vector<16xf32>
        %max3A_625 = arith.constant 0.000000e+00 : f32
        %max3A_626 = vector.broadcast %max3A_625 : f32 to vector<16xf32>
        %max3A_627 = arith.maximumf %sub3A_624, %max3A_626 : vector<16xf32>
        %slice3A_628 = vector.extract_strided_slice %get3A_576 {offsets = [3], sizes = [1], strides = [1]} : vector<16xf32> to vector<1xf32>
        %squeeze3A_629 = vector.extract %slice3A_628[0] : f32 from vector<1xf32>
        %mul3A_630 = vector.broadcast %squeeze3A_629 : f32 to vector<16xf32>
        %mul3A_631 = arith.mulf %max3A_627, %mul3A_630 : vector<16xf32>
        %add3A_632 = arith.addf %add3A_573, %mul3A_631 : vector<16xf32>
        %get3A_633 = arith.constant 36 : i32
        %get3A_634 = arith.index_cast %get3A_633 : i32 to index
        %get3A_635 = arith.index_cast %mul3A_54 : i32 to index
        %get3A_636 = tpu.vector_load %arg5[%get3A_634, %get3A_635] {strides = array<i32>} : memref<64x896xf32, #tpu.memory_space<vmem>>, vector<1x16xf32>,
        %get3A_637 = vector.shape_cast %get3A_636 : vector<1x16xf32> to vector<16xf32>
        %sub3A_638 = arith.subf %get3A_637, %min3A_120 : vector<16xf32>
        %max3A_639 = arith.constant 0.000000e+00 : f32
        %max3A_640 = vector.broadcast %max3A_639 : f32 to vector<16xf32>
        %max3A_641 = arith.maximumf %sub3A_638, %max3A_640 : vector<16xf32>
        %slice3A_642 = vector.extract_strided_slice %get3A_576 {offsets = [4], sizes = [1], strides = [1]} : vector<16xf32> to vector<1xf32>
        %squeeze3A_643 = vector.extract %slice3A_642[0] : f32 from vector<1xf32>
        %mul3A_644 = vector.broadcast %squeeze3A_643 : f32 to vector<16xf32>
        %mul3A_645 = arith.mulf %max3A_641, %mul3A_644 : vector<16xf32>
        %add3A_646 = arith.addf %add3A_590, %mul3A_645 : vector<16xf32>
        %get3A_647 = arith.constant 37 : i32
        %get3A_648 = arith.index_cast %get3A_647 : i32 to index
        %get3A_649 = arith.index_cast %mul3A_54 : i32 to index
        %get3A_650 = tpu.vector_load %arg5[%get3A_648, %get3A_649] {strides = array<i32>} : memref<64x896xf32, #tpu.memory_space<vmem>>, vector<1x16xf32>,
        %get3A_651 = vector.shape_cast %get3A_650 : vector<1x16xf32> to vector<16xf32>
        %sub3A_652 = arith.subf %get3A_651, %min3A_120 : vector<16xf32>
        %max3A_653 = arith.constant 0.000000e+00 : f32
        %max3A_654 = vector.broadcast %max3A_653 : f32 to vector<16xf32>
        %max3A_655 = arith.maximumf %sub3A_652, %max3A_654 : vector<16xf32>
        %slice3A_656 = vector.extract_strided_slice %get3A_576 {offsets = [5], sizes = [1], strides = [1]} : vector<16xf32> to vector<1xf32>
        %squeeze3A_657 = vector.extract %slice3A_656[0] : f32 from vector<1xf32>
        %mul3A_658 = vector.broadcast %squeeze3A_657 : f32 to vector<16xf32>
        %mul3A_659 = arith.mulf %max3A_655, %mul3A_658 : vector<16xf32>
        %add3A_660 = arith.addf %add3A_604, %mul3A_659 : vector<16xf32>
        %get3A_661 = arith.constant 38 : i32
        %get3A_662 = arith.index_cast %get3A_661 : i32 to index
        %get3A_663 = arith.index_cast %mul3A_54 : i32 to index
        %get3A_664 = tpu.vector_load %arg5[%get3A_662, %get3A_663] {strides = array<i32>} : memref<64x896xf32, #tpu.memory_space<vmem>>, vector<1x16xf32>,
        %get3A_665 = vector.shape_cast %get3A_664 : vector<1x16xf32> to vector<16xf32>
        %sub3A_666 = arith.subf %get3A_665, %min3A_120 : vector<16xf32>
        %max3A_667 = arith.constant 0.000000e+00 : f32
        %max3A_668 = vector.broadcast %max3A_667 : f32 to vector<16xf32>
        %max3A_669 = arith.maximumf %sub3A_666, %max3A_668 : vector<16xf32>
        %slice3A_670 = vector.extract_strided_slice %get3A_576 {offsets = [6], sizes = [1], strides = [1]} : vector<16xf32> to vector<1xf32>
        %squeeze3A_671 = vector.extract %slice3A_670[0] : f32 from vector<1xf32>
        %mul3A_672 = vector.broadcast %squeeze3A_671 : f32 to vector<16xf32>
        %mul3A_673 = arith.mulf %max3A_669, %mul3A_672 : vector<16xf32>
        %add3A_674 = arith.addf %add3A_618, %mul3A_673 : vector<16xf32>
        %get3A_675 = arith.constant 39 : i32
        %get3A_676 = arith.index_cast %get3A_675 : i32 to index
        %get3A_677 = arith.index_cast %mul3A_54 : i32 to index
        %get3A_678 = tpu.vector_load %arg5[%get3A_676, %get3A_677] {strides = array<i32>} : memref<64x896xf32, #tpu.memory_space<vmem>>, vector<1x16xf32>,
        %get3A_679 = vector.shape_cast %get3A_678 : vector<1x16xf32> to vector<16xf32>
        %sub3A_680 = arith.subf %get3A_679, %min3A_120 : vector<16xf32>
        %max3A_681 = arith.constant 0.000000e+00 : f32
        %max3A_682 = vector.broadcast %max3A_681 : f32 to vector<16xf32>
        %max3A_683 = arith.maximumf %sub3A_680, %max3A_682 : vector<16xf32>
        %slice3A_684 = vector.extract_strided_slice %get3A_576 {offsets = [7], sizes = [1], strides = [1]} : vector<16xf32> to vector<1xf32>
        %squeeze3A_685 = vector.extract %slice3A_684[0] : f32 from vector<1xf32>
        %mul3A_686 = vector.broadcast %squeeze3A_685 : f32 to vector<16xf32>
        %mul3A_687 = arith.mulf %max3A_683, %mul3A_686 : vector<16xf32>
        %add3A_688 = arith.addf %add3A_632, %mul3A_687 : vector<16xf32>
        %get3A_689 = arith.constant 40 : i32
        %get3A_690 = arith.index_cast %get3A_689 : i32 to index
        %get3A_691 = arith.index_cast %mul3A_54 : i32 to index
        %get3A_692 = tpu.vector_load %arg5[%get3A_690, %get3A_691] {strides = array<i32>} : memref<64x896xf32, #tpu.memory_space<vmem>>, vector<1x16xf32>,
        %get3A_693 = vector.shape_cast %get3A_692 : vector<1x16xf32> to vector<16xf32>
        %sub3A_694 = arith.subf %get3A_693, %min3A_120 : vector<16xf32>
        %max3A_695 = arith.constant 0.000000e+00 : f32
        %max3A_696 = vector.broadcast %max3A_695 : f32 to vector<16xf32>
        %max3A_697 = arith.maximumf %sub3A_694, %max3A_696 : vector<16xf32>
        %slice3A_698 = vector.extract_strided_slice %get3A_576 {offsets = [8], sizes = [1], strides = [1]} : vector<16xf32> to vector<1xf32>
        %squeeze3A_699 = vector.extract %slice3A_698[0] : f32 from vector<1xf32>
        %mul3A_700 = vector.broadcast %squeeze3A_699 : f32 to vector<16xf32>
        %mul3A_701 = arith.mulf %max3A_697, %mul3A_700 : vector<16xf32>
        %add3A_702 = arith.addf %add3A_646, %mul3A_701 : vector<16xf32>
        %get3A_703 = arith.constant 41 : i32
        %get3A_704 = arith.index_cast %get3A_703 : i32 to index
        %get3A_705 = arith.index_cast %mul3A_54 : i32 to index
        %get3A_706 = tpu.vector_load %arg5[%get3A_704, %get3A_705] {strides = array<i32>} : memref<64x896xf32, #tpu.memory_space<vmem>>, vector<1x16xf32>,
        %get3A_707 = vector.shape_cast %get3A_706 : vector<1x16xf32> to vector<16xf32>
        %sub3A_708 = arith.subf %get3A_707, %min3A_120 : vector<16xf32>
        %max3A_709 = arith.constant 0.000000e+00 : f32
        %max3A_710 = vector.broadcast %max3A_709 : f32 to vector<16xf32>
        %max3A_711 = arith.maximumf %sub3A_708, %max3A_710 : vector<16xf32>
        %slice3A_712 = vector.extract_strided_slice %get3A_576 {offsets = [9], sizes = [1], strides = [1]} : vector<16xf32> to vector<1xf32>
        %squeeze3A_713 = vector.extract %slice3A_712[0] : f32 from vector<1xf32>
        %mul3A_714 = vector.broadcast %squeeze3A_713 : f32 to vector<16xf32>
        %mul3A_715 = arith.mulf %max3A_711, %mul3A_714 : vector<16xf32>
        %add3A_716 = arith.addf %add3A_660, %mul3A_715 : vector<16xf32>
        %get3A_717 = arith.constant 42 : i32
        %get3A_718 = arith.index_cast %get3A_717 : i32 to index
        %get3A_719 = arith.index_cast %mul3A_54 : i32 to index
        %get3A_720 = tpu.vector_load %arg5[%get3A_718, %get3A_719] {strides = array<i32>} : memref<64x896xf32, #tpu.memory_space<vmem>>, vector<1x16xf32>,
        %get3A_721 = vector.shape_cast %get3A_720 : vector<1x16xf32> to vector<16xf32>
        %sub3A_722 = arith.subf %get3A_721, %min3A_120 : vector<16xf32>
        %max3A_723 = arith.constant 0.000000e+00 : f32
        %max3A_724 = vector.broadcast %max3A_723 : f32 to vector<16xf32>
        %max3A_725 = arith.maximumf %sub3A_722, %max3A_724 : vector<16xf32>
        %slice3A_726 = vector.extract_strided_slice %get3A_576 {offsets = [10], sizes = [1], strides = [1]} : vector<16xf32> to vector<1xf32>
        %squeeze3A_727 = vector.extract %slice3A_726[0] : f32 from vector<1xf32>
        %mul3A_728 = vector.broadcast %squeeze3A_727 : f32 to vector<16xf32>
        %mul3A_729 = arith.mulf %max3A_725, %mul3A_728 : vector<16xf32>
        %add3A_730 = arith.addf %add3A_674, %mul3A_729 : vector<16xf32>
        %get3A_731 = arith.constant 43 : i32
        %get3A_732 = arith.index_cast %get3A_731 : i32 to index
        %get3A_733 = arith.index_cast %mul3A_54 : i32 to index
        %get3A_734 = tpu.vector_load %arg5[%get3A_732, %get3A_733] {strides = array<i32>} : memref<64x896xf32, #tpu.memory_space<vmem>>, vector<1x16xf32>,
        %get3A_735 = vector.shape_cast %get3A_734 : vector<1x16xf32> to vector<16xf32>
        %sub3A_736 = arith.subf %get3A_735, %min3A_120 : vector<16xf32>
        %max3A_737 = arith.constant 0.000000e+00 : f32
        %max3A_738 = vector.broadcast %max3A_737 : f32 to vector<16xf32>
        %max3A_739 = arith.maximumf %sub3A_736, %max3A_738 : vector<16xf32>
        %slice3A_740 = vector.extract_strided_slice %get3A_576 {offsets = [11], sizes = [1], strides = [1]} : vector<16xf32> to vector<1xf32>
        %squeeze3A_741 = vector.extract %slice3A_740[0] : f32 from vector<1xf32>
        %mul3A_742 = vector.broadcast %squeeze3A_741 : f32 to vector<16xf32>
        %mul3A_743 = arith.mulf %max3A_739, %mul3A_742 : vector<16xf32>
        %add3A_744 = arith.addf %add3A_688, %mul3A_743 : vector<16xf32>
        %get3A_745 = arith.constant 44 : i32
        %get3A_746 = arith.index_cast %get3A_745 : i32 to index
        %get3A_747 = arith.index_cast %mul3A_54 : i32 to index
        %get3A_748 = tpu.vector_load %arg5[%get3A_746, %get3A_747] {strides = array<i32>} : memref<64x896xf32, #tpu.memory_space<vmem>>, vector<1x16xf32>,
        %get3A_749 = vector.shape_cast %get3A_748 : vector<1x16xf32> to vector<16xf32>
        %sub3A_750 = arith.subf %get3A_749, %min3A_120 : vector<16xf32>
        %max3A_751 = arith.constant 0.000000e+00 : f32
        %max3A_752 = vector.broadcast %max3A_751 : f32 to vector<16xf32>
        %max3A_753 = arith.maximumf %sub3A_750, %max3A_752 : vector<16xf32>
        %slice3A_754 = vector.extract_strided_slice %get3A_576 {offsets = [12], sizes = [1], strides = [1]} : vector<16xf32> to vector<1xf32>
        %squeeze3A_755 = vector.extract %slice3A_754[0] : f32 from vector<1xf32>
        %mul3A_756 = vector.broadcast %squeeze3A_755 : f32 to vector<16xf32>
        %mul3A_757 = arith.mulf %max3A_753, %mul3A_756 : vector<16xf32>
        %add3A_758 = arith.addf %add3A_702, %mul3A_757 : vector<16xf32>
        %get3A_759 = arith.constant 45 : i32
        %get3A_760 = arith.index_cast %get3A_759 : i32 to index
        %get3A_761 = arith.index_cast %mul3A_54 : i32 to index
        %get3A_762 = tpu.vector_load %arg5[%get3A_760, %get3A_761] {strides = array<i32>} : memref<64x896xf32, #tpu.memory_space<vmem>>, vector<1x16xf32>,
        %get3A_763 = vector.shape_cast %get3A_762 : vector<1x16xf32> to vector<16xf32>
        %sub3A_764 = arith.subf %get3A_763, %min3A_120 : vector<16xf32>
        %max3A_765 = arith.constant 0.000000e+00 : f32
        %max3A_766 = vector.broadcast %max3A_765 : f32 to vector<16xf32>
        %max3A_767 = arith.maximumf %sub3A_764, %max3A_766 : vector<16xf32>
        %slice3A_768 = vector.extract_strided_slice %get3A_576 {offsets = [13], sizes = [1], strides = [1]} : vector<16xf32> to vector<1xf32>
        %squeeze3A_769 = vector.extract %slice3A_768[0] : f32 from vector<1xf32>
        %mul3A_770 = vector.broadcast %squeeze3A_769 : f32 to vector<16xf32>
        %mul3A_771 = arith.mulf %max3A_767, %mul3A_770 : vector<16xf32>
        %add3A_772 = arith.addf %add3A_716, %mul3A_771 : vector<16xf32>
        %get3A_773 = arith.constant 46 : i32
        %get3A_774 = arith.index_cast %get3A_773 : i32 to index
        %get3A_775 = arith.index_cast %mul3A_54 : i32 to index
        %get3A_776 = tpu.vector_load %arg5[%get3A_774, %get3A_775] {strides = array<i32>} : memref<64x896xf32, #tpu.memory_space<vmem>>, vector<1x16xf32>,
        %get3A_777 = vector.shape_cast %get3A_776 : vector<1x16xf32> to vector<16xf32>
        %sub3A_778 = arith.subf %get3A_777, %min3A_120 : vector<16xf32>
        %max3A_779 = arith.constant 0.000000e+00 : f32
        %max3A_780 = vector.broadcast %max3A_779 : f32 to vector<16xf32>
        %max3A_781 = arith.maximumf %sub3A_778, %max3A_780 : vector<16xf32>
        %slice3A_782 = vector.extract_strided_slice %get3A_576 {offsets = [14], sizes = [1], strides = [1]} : vector<16xf32> to vector<1xf32>
        %squeeze3A_783 = vector.extract %slice3A_782[0] : f32 from vector<1xf32>
        %mul3A_784 = vector.broadcast %squeeze3A_783 : f32 to vector<16xf32>
        %mul3A_785 = arith.mulf %max3A_781, %mul3A_784 : vector<16xf32>
        %add3A_786 = arith.addf %add3A_730, %mul3A_785 : vector<16xf32>
        %get3A_787 = arith.constant 47 : i32
        %get3A_788 = arith.index_cast %get3A_787 : i32 to index
        %get3A_789 = arith.index_cast %mul3A_54 : i32 to index
        %get3A_790 = tpu.vector_load %arg5[%get3A_788, %get3A_789] {strides = array<i32>} : memref<64x896xf32, #tpu.memory_space<vmem>>, vector<1x16xf32>,
        %get3A_791 = vector.shape_cast %get3A_790 : vector<1x16xf32> to vector<16xf32>
        %sub3A_792 = arith.subf %get3A_791, %min3A_120 : vector<16xf32>
        %max3A_793 = arith.constant 0.000000e+00 : f32
        %max3A_794 = vector.broadcast %max3A_793 : f32 to vector<16xf32>
        %max3A_795 = arith.maximumf %sub3A_792, %max3A_794 : vector<16xf32>
        %slice3A_796 = vector.extract_strided_slice %get3A_576 {offsets = [15], sizes = [1], strides = [1]} : vector<16xf32> to vector<1xf32>
        %squeeze3A_797 = vector.extract %slice3A_796[0] : f32 from vector<1xf32>
        %mul3A_798 = vector.broadcast %squeeze3A_797 : f32 to vector<16xf32>
        %mul3A_799 = arith.mulf %max3A_795, %mul3A_798 : vector<16xf32>
        %add3A_800 = arith.addf %add3A_744, %mul3A_799 : vector<16xf32>
        %get3A_801 = arith.constant 48 : index
        %get3A_802 = tpu.vector_load %arg7[%get3A_801] {strides = array<i32>} : memref<64xf32, #tpu.memory_space<vmem>>, vector<16xf32>,
        %get3A_803 = vector.shape_cast %get3A_802 : vector<16xf32> to vector<16xf32>
        %get3A_804 = arith.constant 48 : i32
        %get3A_805 = arith.index_cast %get3A_804 : i32 to index
        %get3A_806 = arith.index_cast %mul3A_54 : i32 to index
        %get3A_807 = tpu.vector_load %arg5[%get3A_805, %get3A_806] {strides = array<i32>} : memref<64x896xf32, #tpu.memory_space<vmem>>, vector<1x16xf32>,
        %get3A_808 = vector.shape_cast %get3A_807 : vector<1x16xf32> to vector<16xf32>
        %sub3A_809 = arith.subf %get3A_808, %min3A_120 : vector<16xf32>
        %max3A_810 = arith.constant 0.000000e+00 : f32
        %max3A_811 = vector.broadcast %max3A_810 : f32 to vector<16xf32>
        %max3A_812 = arith.maximumf %sub3A_809, %max3A_811 : vector<16xf32>
        %slice3A_813 = vector.extract_strided_slice %get3A_803 {offsets = [0], sizes = [1], strides = [1]} : vector<16xf32> to vector<1xf32>
        %squeeze3A_814 = vector.extract %slice3A_813[0] : f32 from vector<1xf32>
        %mul3A_815 = vector.broadcast %squeeze3A_814 : f32 to vector<16xf32>
        %mul3A_816 = arith.mulf %max3A_812, %mul3A_815 : vector<16xf32>
        %add3A_817 = arith.addf %add3A_758, %mul3A_816 : vector<16xf32>
        %get3A_818 = arith.constant 49 : i32
        %get3A_819 = arith.index_cast %get3A_818 : i32 to index
        %get3A_820 = arith.index_cast %mul3A_54 : i32 to index
        %get3A_821 = tpu.vector_load %arg5[%get3A_819, %get3A_820] {strides = array<i32>} : memref<64x896xf32, #tpu.memory_space<vmem>>, vector<1x16xf32>,
        %get3A_822 = vector.shape_cast %get3A_821 : vector<1x16xf32> to vector<16xf32>
        %sub3A_823 = arith.subf %get3A_822, %min3A_120 : vector<16xf32>
        %max3A_824 = arith.constant 0.000000e+00 : f32
        %max3A_825 = vector.broadcast %max3A_824 : f32 to vector<16xf32>
        %max3A_826 = arith.maximumf %sub3A_823, %max3A_825 : vector<16xf32>
        %slice3A_827 = vector.extract_strided_slice %get3A_803 {offsets = [1], sizes = [1], strides = [1]} : vector<16xf32> to vector<1xf32>
        %squeeze3A_828 = vector.extract %slice3A_827[0] : f32 from vector<1xf32>
        %mul3A_829 = vector.broadcast %squeeze3A_828 : f32 to vector<16xf32>
        %mul3A_830 = arith.mulf %max3A_826, %mul3A_829 : vector<16xf32>
        %add3A_831 = arith.addf %add3A_772, %mul3A_830 : vector<16xf32>
        %get3A_832 = arith.constant 50 : i32
        %get3A_833 = arith.index_cast %get3A_832 : i32 to index
        %get3A_834 = arith.index_cast %mul3A_54 : i32 to index
        %get3A_835 = tpu.vector_load %arg5[%get3A_833, %get3A_834] {strides = array<i32>} : memref<64x896xf32, #tpu.memory_space<vmem>>, vector<1x16xf32>,
        %get3A_836 = vector.shape_cast %get3A_835 : vector<1x16xf32> to vector<16xf32>
        %sub3A_837 = arith.subf %get3A_836, %min3A_120 : vector<16xf32>
        %max3A_838 = arith.constant 0.000000e+00 : f32
        %max3A_839 = vector.broadcast %max3A_838 : f32 to vector<16xf32>
        %max3A_840 = arith.maximumf %sub3A_837, %max3A_839 : vector<16xf32>
        %slice3A_841 = vector.extract_strided_slice %get3A_803 {offsets = [2], sizes = [1], strides = [1]} : vector<16xf32> to vector<1xf32>
        %squeeze3A_842 = vector.extract %slice3A_841[0] : f32 from vector<1xf32>
        %mul3A_843 = vector.broadcast %squeeze3A_842 : f32 to vector<16xf32>
        %mul3A_844 = arith.mulf %max3A_840, %mul3A_843 : vector<16xf32>
        %add3A_845 = arith.addf %add3A_786, %mul3A_844 : vector<16xf32>
        %get3A_846 = arith.constant 51 : i32
        %get3A_847 = arith.index_cast %get3A_846 : i32 to index
        %get3A_848 = arith.index_cast %mul3A_54 : i32 to index
        %get3A_849 = tpu.vector_load %arg5[%get3A_847, %get3A_848] {strides = array<i32>} : memref<64x896xf32, #tpu.memory_space<vmem>>, vector<1x16xf32>,
        %get3A_850 = vector.shape_cast %get3A_849 : vector<1x16xf32> to vector<16xf32>
        %sub3A_851 = arith.subf %get3A_850, %min3A_120 : vector<16xf32>
        %max3A_852 = arith.constant 0.000000e+00 : f32
        %max3A_853 = vector.broadcast %max3A_852 : f32 to vector<16xf32>
        %max3A_854 = arith.maximumf %sub3A_851, %max3A_853 : vector<16xf32>
        %slice3A_855 = vector.extract_strided_slice %get3A_803 {offsets = [3], sizes = [1], strides = [1]} : vector<16xf32> to vector<1xf32>
        %squeeze3A_856 = vector.extract %slice3A_855[0] : f32 from vector<1xf32>
        %mul3A_857 = vector.broadcast %squeeze3A_856 : f32 to vector<16xf32>
        %mul3A_858 = arith.mulf %max3A_854, %mul3A_857 : vector<16xf32>
        %add3A_859 = arith.addf %add3A_800, %mul3A_858 : vector<16xf32>
        %get3A_860 = arith.constant 52 : i32
        %get3A_861 = arith.index_cast %get3A_860 : i32 to index
        %get3A_862 = arith.index_cast %mul3A_54 : i32 to index
        %get3A_863 = tpu.vector_load %arg5[%get3A_861, %get3A_862] {strides = array<i32>} : memref<64x896xf32, #tpu.memory_space<vmem>>, vector<1x16xf32>,
        %get3A_864 = vector.shape_cast %get3A_863 : vector<1x16xf32> to vector<16xf32>
        %sub3A_865 = arith.subf %get3A_864, %min3A_120 : vector<16xf32>
        %max3A_866 = arith.constant 0.000000e+00 : f32
        %max3A_867 = vector.broadcast %max3A_866 : f32 to vector<16xf32>
        %max3A_868 = arith.maximumf %sub3A_865, %max3A_867 : vector<16xf32>
        %slice3A_869 = vector.extract_strided_slice %get3A_803 {offsets = [4], sizes = [1], strides = [1]} : vector<16xf32> to vector<1xf32>
        %squeeze3A_870 = vector.extract %slice3A_869[0] : f32 from vector<1xf32>
        %mul3A_871 = vector.broadcast %squeeze3A_870 : f32 to vector<16xf32>
        %mul3A_872 = arith.mulf %max3A_868, %mul3A_871 : vector<16xf32>
        %add3A_873 = arith.addf %add3A_817, %mul3A_872 : vector<16xf32>
        %get3A_874 = arith.constant 53 : i32
        %get3A_875 = arith.index_cast %get3A_874 : i32 to index
        %get3A_876 = arith.index_cast %mul3A_54 : i32 to index
        %get3A_877 = tpu.vector_load %arg5[%get3A_875, %get3A_876] {strides = array<i32>} : memref<64x896xf32, #tpu.memory_space<vmem>>, vector<1x16xf32>,
        %get3A_878 = vector.shape_cast %get3A_877 : vector<1x16xf32> to vector<16xf32>
        %sub3A_879 = arith.subf %get3A_878, %min3A_120 : vector<16xf32>
        %max3A_880 = arith.constant 0.000000e+00 : f32
        %max3A_881 = vector.broadcast %max3A_880 : f32 to vector<16xf32>
        %max3A_882 = arith.maximumf %sub3A_879, %max3A_881 : vector<16xf32>
        %slice3A_883 = vector.extract_strided_slice %get3A_803 {offsets = [5], sizes = [1], strides = [1]} : vector<16xf32> to vector<1xf32>
        %squeeze3A_884 = vector.extract %slice3A_883[0] : f32 from vector<1xf32>
        %mul3A_885 = vector.broadcast %squeeze3A_884 : f32 to vector<16xf32>
        %mul3A_886 = arith.mulf %max3A_882, %mul3A_885 : vector<16xf32>
        %add3A_887 = arith.addf %add3A_831, %mul3A_886 : vector<16xf32>
        %get3A_888 = arith.constant 54 : i32
        %get3A_889 = arith.index_cast %get3A_888 : i32 to index
        %get3A_890 = arith.index_cast %mul3A_54 : i32 to index
        %get3A_891 = tpu.vector_load %arg5[%get3A_889, %get3A_890] {strides = array<i32>} : memref<64x896xf32, #tpu.memory_space<vmem>>, vector<1x16xf32>,
        %get3A_892 = vector.shape_cast %get3A_891 : vector<1x16xf32> to vector<16xf32>
        %sub3A_893 = arith.subf %get3A_892, %min3A_120 : vector<16xf32>
        %max3A_894 = arith.constant 0.000000e+00 : f32
        %max3A_895 = vector.broadcast %max3A_894 : f32 to vector<16xf32>
        %max3A_896 = arith.maximumf %sub3A_893, %max3A_895 : vector<16xf32>
        %slice3A_897 = vector.extract_strided_slice %get3A_803 {offsets = [6], sizes = [1], strides = [1]} : vector<16xf32> to vector<1xf32>
        %squeeze3A_898 = vector.extract %slice3A_897[0] : f32 from vector<1xf32>
        %mul3A_899 = vector.broadcast %squeeze3A_898 : f32 to vector<16xf32>
        %mul3A_900 = arith.mulf %max3A_896, %mul3A_899 : vector<16xf32>
        %add3A_901 = arith.addf %add3A_845, %mul3A_900 : vector<16xf32>
        %get3A_902 = arith.constant 55 : i32
        %get3A_903 = arith.index_cast %get3A_902 : i32 to index
        %get3A_904 = arith.index_cast %mul3A_54 : i32 to index
        %get3A_905 = tpu.vector_load %arg5[%get3A_903, %get3A_904] {strides = array<i32>} : memref<64x896xf32, #tpu.memory_space<vmem>>, vector<1x16xf32>,
        %get3A_906 = vector.shape_cast %get3A_905 : vector<1x16xf32> to vector<16xf32>
        %sub3A_907 = arith.subf %get3A_906, %min3A_120 : vector<16xf32>
        %max3A_908 = arith.constant 0.000000e+00 : f32
        %max3A_909 = vector.broadcast %max3A_908 : f32 to vector<16xf32>
        %max3A_910 = arith.maximumf %sub3A_907, %max3A_909 : vector<16xf32>
        %slice3A_911 = vector.extract_strided_slice %get3A_803 {offsets = [7], sizes = [1], strides = [1]} : vector<16xf32> to vector<1xf32>
        %squeeze3A_912 = vector.extract %slice3A_911[0] : f32 from vector<1xf32>
        %mul3A_913 = vector.broadcast %squeeze3A_912 : f32 to vector<16xf32>
        %mul3A_914 = arith.mulf %max3A_910, %mul3A_913 : vector<16xf32>
        %add3A_915 = arith.addf %add3A_859, %mul3A_914 : vector<16xf32>
        %get3A_916 = arith.constant 56 : i32
        %get3A_917 = arith.index_cast %get3A_916 : i32 to index
        %get3A_918 = arith.index_cast %mul3A_54 : i32 to index
        %get3A_919 = tpu.vector_load %arg5[%get3A_917, %get3A_918] {strides = array<i32>} : memref<64x896xf32, #tpu.memory_space<vmem>>, vector<1x16xf32>,
        %get3A_920 = vector.shape_cast %get3A_919 : vector<1x16xf32> to vector<16xf32>
        %sub3A_921 = arith.subf %get3A_920, %min3A_120 : vector<16xf32>
        %max3A_922 = arith.constant 0.000000e+00 : f32
        %max3A_923 = vector.broadcast %max3A_922 : f32 to vector<16xf32>
        %max3A_924 = arith.maximumf %sub3A_921, %max3A_923 : vector<16xf32>
        %slice3A_925 = vector.extract_strided_slice %get3A_803 {offsets = [8], sizes = [1], strides = [1]} : vector<16xf32> to vector<1xf32>
        %squeeze3A_926 = vector.extract %slice3A_925[0] : f32 from vector<1xf32>
        %mul3A_927 = vector.broadcast %squeeze3A_926 : f32 to vector<16xf32>
        %mul3A_928 = arith.mulf %max3A_924, %mul3A_927 : vector<16xf32>
        %add3A_929 = arith.addf %add3A_873, %mul3A_928 : vector<16xf32>
        %get3A_930 = arith.constant 57 : i32
        %get3A_931 = arith.index_cast %get3A_930 : i32 to index
        %get3A_932 = arith.index_cast %mul3A_54 : i32 to index
        %get3A_933 = tpu.vector_load %arg5[%get3A_931, %get3A_932] {strides = array<i32>} : memref<64x896xf32, #tpu.memory_space<vmem>>, vector<1x16xf32>,
        %get3A_934 = vector.shape_cast %get3A_933 : vector<1x16xf32> to vector<16xf32>
        %sub3A_935 = arith.subf %get3A_934, %min3A_120 : vector<16xf32>
        %max3A_936 = arith.constant 0.000000e+00 : f32
        %max3A_937 = vector.broadcast %max3A_936 : f32 to vector<16xf32>
        %max3A_938 = arith.maximumf %sub3A_935, %max3A_937 : vector<16xf32>
        %slice3A_939 = vector.extract_strided_slice %get3A_803 {offsets = [9], sizes = [1], strides = [1]} : vector<16xf32> to vector<1xf32>
        %squeeze3A_940 = vector.extract %slice3A_939[0] : f32 from vector<1xf32>
        %mul3A_941 = vector.broadcast %squeeze3A_940 : f32 to vector<16xf32>
        %mul3A_942 = arith.mulf %max3A_938, %mul3A_941 : vector<16xf32>
        %add3A_943 = arith.addf %add3A_887, %mul3A_942 : vector<16xf32>
        %get3A_944 = arith.constant 58 : i32
        %get3A_945 = arith.index_cast %get3A_944 : i32 to index
        %get3A_946 = arith.index_cast %mul3A_54 : i32 to index
        %get3A_947 = tpu.vector_load %arg5[%get3A_945, %get3A_946] {strides = array<i32>} : memref<64x896xf32, #tpu.memory_space<vmem>>, vector<1x16xf32>,
        %get3A_948 = vector.shape_cast %get3A_947 : vector<1x16xf32> to vector<16xf32>
        %sub3A_949 = arith.subf %get3A_948, %min3A_120 : vector<16xf32>
        %max3A_950 = arith.constant 0.000000e+00 : f32
        %max3A_951 = vector.broadcast %max3A_950 : f32 to vector<16xf32>
        %max3A_952 = arith.maximumf %sub3A_949, %max3A_951 : vector<16xf32>
        %slice3A_953 = vector.extract_strided_slice %get3A_803 {offsets = [10], sizes = [1], strides = [1]} : vector<16xf32> to vector<1xf32>
        %squeeze3A_954 = vector.extract %slice3A_953[0] : f32 from vector<1xf32>
        %mul3A_955 = vector.broadcast %squeeze3A_954 : f32 to vector<16xf32>
        %mul3A_956 = arith.mulf %max3A_952, %mul3A_955 : vector<16xf32>
        %add3A_957 = arith.addf %add3A_901, %mul3A_956 : vector<16xf32>
        %get3A_958 = arith.constant 59 : i32
        %get3A_959 = arith.index_cast %get3A_958 : i32 to index
        %get3A_960 = arith.index_cast %mul3A_54 : i32 to index
        %get3A_961 = tpu.vector_load %arg5[%get3A_959, %get3A_960] {strides = array<i32>} : memref<64x896xf32, #tpu.memory_space<vmem>>, vector<1x16xf32>,
        %get3A_962 = vector.shape_cast %get3A_961 : vector<1x16xf32> to vector<16xf32>
        %sub3A_963 = arith.subf %get3A_962, %min3A_120 : vector<16xf32>
        %max3A_964 = arith.constant 0.000000e+00 : f32
        %max3A_965 = vector.broadcast %max3A_964 : f32 to vector<16xf32>
        %max3A_966 = arith.maximumf %sub3A_963, %max3A_965 : vector<16xf32>
        %slice3A_967 = vector.extract_strided_slice %get3A_803 {offsets = [11], sizes = [1], strides = [1]} : vector<16xf32> to vector<1xf32>
        %squeeze3A_968 = vector.extract %slice3A_967[0] : f32 from vector<1xf32>
        %mul3A_969 = vector.broadcast %squeeze3A_968 : f32 to vector<16xf32>
        %mul3A_970 = arith.mulf %max3A_966, %mul3A_969 : vector<16xf32>
        %add3A_971 = arith.addf %add3A_915, %mul3A_970 : vector<16xf32>
        %get3A_972 = arith.constant 60 : i32
        %get3A_973 = arith.index_cast %get3A_972 : i32 to index
        %get3A_974 = arith.index_cast %mul3A_54 : i32 to index
        %get3A_975 = tpu.vector_load %arg5[%get3A_973, %get3A_974] {strides = array<i32>} : memref<64x896xf32, #tpu.memory_space<vmem>>, vector<1x16xf32>,
        %get3A_976 = vector.shape_cast %get3A_975 : vector<1x16xf32> to vector<16xf32>
        %sub3A_977 = arith.subf %get3A_976, %min3A_120 : vector<16xf32>
        %max3A_978 = arith.constant 0.000000e+00 : f32
        %max3A_979 = vector.broadcast %max3A_978 : f32 to vector<16xf32>
        %max3A_980 = arith.maximumf %sub3A_977, %max3A_979 : vector<16xf32>
        %slice3A_981 = vector.extract_strided_slice %get3A_803 {offsets = [12], sizes = [1], strides = [1]} : vector<16xf32> to vector<1xf32>
        %squeeze3A_982 = vector.extract %slice3A_981[0] : f32 from vector<1xf32>
        %mul3A_983 = vector.broadcast %squeeze3A_982 : f32 to vector<16xf32>
        %mul3A_984 = arith.mulf %max3A_980, %mul3A_983 : vector<16xf32>
        %add3A_985 = arith.addf %add3A_929, %mul3A_984 : vector<16xf32>
        %get3A_986 = arith.constant 61 : i32
        %get3A_987 = arith.index_cast %get3A_986 : i32 to index
        %get3A_988 = arith.index_cast %mul3A_54 : i32 to index
        %get3A_989 = tpu.vector_load %arg5[%get3A_987, %get3A_988] {strides = array<i32>} : memref<64x896xf32, #tpu.memory_space<vmem>>, vector<1x16xf32>,
        %get3A_990 = vector.shape_cast %get3A_989 : vector<1x16xf32> to vector<16xf32>
        %sub3A_991 = arith.subf %get3A_990, %min3A_120 : vector<16xf32>
        %max3A_992 = arith.constant 0.000000e+00 : f32
        %max3A_993 = vector.broadcast %max3A_992 : f32 to vector<16xf32>
        %max3A_994 = arith.maximumf %sub3A_991, %max3A_993 : vector<16xf32>
        %slice3A_995 = vector.extract_strided_slice %get3A_803 {offsets = [13], sizes = [1], strides = [1]} : vector<16xf32> to vector<1xf32>
        %squeeze3A_996 = vector.extract %slice3A_995[0] : f32 from vector<1xf32>
        %mul3A_997 = vector.broadcast %squeeze3A_996 : f32 to vector<16xf32>
        %mul3A_998 = arith.mulf %max3A_994, %mul3A_997 : vector<16xf32>
        %add3A_999 = arith.addf %add3A_943, %mul3A_998 : vector<16xf32>
        %get3A_1000 = arith.constant 62 : i32
        %get3A_1001 = arith.index_cast %get3A_1000 : i32 to index
        %get3A_1002 = arith.index_cast %mul3A_54 : i32 to index
        %get3A_1003 = tpu.vector_load %arg5[%get3A_1001, %get3A_1002] {strides = array<i32>} : memref<64x896xf32, #tpu.memory_space<vmem>>, vector<1x16xf32>,
        %get3A_1004 = vector.shape_cast %get3A_1003 : vector<1x16xf32> to vector<16xf32>
        %sub3A_1005 = arith.subf %get3A_1004, %min3A_120 : vector<16xf32>
        %max3A_1006 = arith.constant 0.000000e+00 : f32
        %max3A_1007 = vector.broadcast %max3A_1006 : f32 to vector<16xf32>
        %max3A_1008 = arith.maximumf %sub3A_1005, %max3A_1007 : vector<16xf32>
        %slice3A_1009 = vector.extract_strided_slice %get3A_803 {offsets = [14], sizes = [1], strides = [1]} : vector<16xf32> to vector<1xf32>
        %squeeze3A_1010 = vector.extract %slice3A_1009[0] : f32 from vector<1xf32>
        %mul3A_1011 = vector.broadcast %squeeze3A_1010 : f32 to vector<16xf32>
        %mul3A_1012 = arith.mulf %max3A_1008, %mul3A_1011 : vector<16xf32>
        %add3A_1013 = arith.addf %add3A_957, %mul3A_1012 : vector<16xf32>
        %get3A_1014 = arith.constant 63 : i32
        %get3A_1015 = arith.index_cast %get3A_1014 : i32 to index
        %get3A_1016 = arith.index_cast %mul3A_54 : i32 to index
        %get3A_1017 = tpu.vector_load %arg5[%get3A_1015, %get3A_1016] {strides = array<i32>} : memref<64x896xf32, #tpu.memory_space<vmem>>, vector<1x16xf32>,
        %get3A_1018 = vector.shape_cast %get3A_1017 : vector<1x16xf32> to vector<16xf32>
        %sub3A_1019 = arith.subf %get3A_1018, %min3A_120 : vector<16xf32>
        %max3A_1020 = arith.constant 0.000000e+00 : f32
        %max3A_1021 = vector.broadcast %max3A_1020 : f32 to vector<16xf32>
        %max3A_1022 = arith.maximumf %sub3A_1019, %max3A_1021 : vector<16xf32>
        %slice3A_1023 = vector.extract_strided_slice %get3A_803 {offsets = [15], sizes = [1], strides = [1]} : vector<16xf32> to vector<1xf32>
        %squeeze3A_1024 = vector.extract %slice3A_1023[0] : f32 from vector<1xf32>
        %mul3A_1025 = vector.broadcast %squeeze3A_1024 : f32 to vector<16xf32>
        %mul3A_1026 = arith.mulf %max3A_1022, %mul3A_1025 : vector<16xf32>
        %add3A_1027 = arith.addf %add3A_971, %mul3A_1026 : vector<16xf32>
        %add3A_1028 = arith.addf %add3A_985, %add3A_999 : vector<16xf32>
        %add3A_1029 = arith.addf %add3A_1013, %add3A_1027 : vector<16xf32>
        %add3A_1030 = arith.addf %add3A_1028, %add3A_1029 : vector<16xf32>
        %swap3A = arith.index_cast %mul3A_54 : i32 to index
        %swap3A_1031 = tpu.vector_load %arg6[%swap3A] {strides = array<i32>} : memref<896xf32, #tpu.memory_space<vmem>>, vector<16xf32>,
        %swap3A_1032 = vector.shape_cast %swap3A_1031 : vector<16xf32> to vector<16xf32>
        %swap3A_1033 = vector.shape_cast %add3A_1030 : vector<16xf32> to vector<16xf32>
        tpu.vector_store %arg6[%swap3A], %swap3A_1033 {strides = array<i32>} : memref<896xf32, #tpu.memory_space<vmem>>, vector<16xf32>,
      }
      %scan3A_47 = arith.constant 56 : i32
      %mul3A_48 = arith.constant 50176 : i32
      %mul3A_49 = arith.muli %select_n3A, %mul3A_48 : i32
      %add3A_50 = arith.addi %mul3A_49, %multiple_of3A : i32
      %multiple_of3A_51 = tpu.assume_multiple %add3A_50, 8 : i32
      "tpu.region"() ({
        %run_scoped3A = tpu.sem_alloc : memref<!tpu.dma_semaphore, #tpu.memory_space<semaphore_mem>>
        %dma_start3A = tpu.memref_slice %arg4[%multiple_of3A_51] : memref<401408xf32, #tpu.memory_space<hbm>> -> memref<896xf32, #tpu.memory_space<hbm>>
        %dma_start3A_52 = tpu.memref_slice %arg4[%multiple_of3A_51] : memref<401408xf32, #tpu.memory_space<hbm>> -> memref<896xf32, #tpu.memory_space<hbm>>
        tpu.enqueue_dma source(%arg6 : memref<896xf32, #tpu.memory_space<vmem>>) target(%dma_start3A_52 : memref<896xf32, #tpu.memory_space<hbm>>) target_semaphore(%run_scoped3A : memref<!tpu.dma_semaphore, #tpu.memory_space<semaphore_mem>>)
        %dma_wait3A = tpu.memref_slice %arg4[%multiple_of3A_51] : memref<401408xf32, #tpu.memory_space<hbm>> -> memref<896xf32, #tpu.memory_space<hbm>>
        %dma_wait3A_53 = tpu.memref_slice %arg4[%multiple_of3A_51] : memref<401408xf32, #tpu.memory_space<hbm>> -> memref<896xf32, #tpu.memory_space<hbm>>
        tpu.wait_dma2 semaphore(%run_scoped3A : memref<!tpu.dma_semaphore, #tpu.memory_space<semaphore_mem>>) src(%arg6 : memref<896xf32, #tpu.memory_space<vmem>>) dst(%dma_wait3A_53 : memref<896xf32, #tpu.memory_space<hbm>>)
        tpu.yield
      }) : () -> ()
    }
    %scan3A_37 = arith.constant 14 : i32
    return
  }
}

module attributes {stable_mosaic.version = 14 : i64} {
  func.func @_centers_body(%arg0: memref<1x64xf32, #tpu.memory_space<vmem>>, %arg1: memref<1x1xf32, #tpu.memory_space<vmem>>, %arg2: memref<1x1xf32, #tpu.memory_space<vmem>>, %arg3: memref<1x64xf32, #tpu.memory_space<vmem>>) attributes {dimension_semantics = [], scalar_prefetch = 0 : i64, scratch_operands = 0 : i64, tpu.core_type = #tpu.core_type<tc>} {
    %get3A = arith.constant 0 : index
    %get3A_0 = arith.constant 0 : index
    %get3A_1 = vector.load %arg0[%get3A, %get3A_0] : memref<1x64xf32, #tpu.memory_space<vmem>>, vector<1x64xf32>
    %get3A_2 = arith.constant 0 : index
    %get3A_3 = arith.constant 0 : index
    %get3A_4 = vector.load %arg1[%get3A_2, %get3A_3] : memref<1x1xf32, #tpu.memory_space<vmem>>, vector<1x1xf32>
    %get3A_5 = arith.constant 0 : index
    %get3A_6 = arith.constant 0 : index
    %get3A_7 = vector.load %arg2[%get3A_5, %get3A_6] : memref<1x1xf32, #tpu.memory_space<vmem>>, vector<1x1xf32>
    %max3A = arith.constant 0.000000e+00 : f32
    %max3A_8 = vector.broadcast %max3A : f32 to vector<1x64xf32>
    %max3A_9 = arith.maximumf %get3A_1, %max3A_8 : vector<1x64xf32>
    %abs3A = math.absf %get3A_1 : vector<1x64xf32>
    %neg3A = arith.constant 0.000000e+00 : f32
    %neg3A_10 = vector.broadcast %neg3A : f32 to vector<1x64xf32>
    %neg3A_11 = arith.subf %neg3A_10, %abs3A : vector<1x64xf32>
    %exp3A = math.exp %neg3A_11 : vector<1x64xf32>
    %log1p3A = math.log1p %exp3A : vector<1x64xf32>
    %add3A = arith.addf %max3A_9, %log1p3A : vector<1x64xf32>
    %reduce_sum3A = vector.shape_cast %add3A : vector<1x64xf32> to vector<1x1x64xf32>
    %reduce_sum3A_12 = arith.constant dense<0.000000e+00> : vector<1xf32>
    %reduce_sum3A_13 = vector.multi_reduction <add>, %reduce_sum3A, %reduce_sum3A_12 [1, 2] : vector<1x1x64xf32> to vector<1xf32>
    %reduce_sum3A_14 = vector.shape_cast %reduce_sum3A_13 : vector<1xf32> to vector<1x1x1xf32>
    %reduce_sum3A_15 = vector.extract %reduce_sum3A_14[0, 0, 0] : f32 from vector<1x1x1xf32>
    %div3A = vector.broadcast %reduce_sum3A_15 : f32 to vector<1x64xf32>
    %div3A_16 = arith.divf %add3A, %div3A : vector<1x64xf32>
    %sub3A = arith.subf %get3A_7, %get3A_4 : vector<1x1xf32>
    %mul3A = vector.broadcast %sub3A : vector<1x1xf32> to vector<1x64xf32>
    %mul3A_17 = arith.mulf %div3A_16, %mul3A : vector<1x64xf32>
    %iota3A = tpu.iota {dimensions = array<i32: 0>} : vector<64x64xi32>
    %iota3A_18 = tpu.iota {dimensions = array<i32: 1>} : vector<64x64xi32>
    %le3A = arith.cmpi sle, %iota3A, %iota3A_18 : vector<64x64xi32>
    %convert_element_type3A = arith.extui %le3A : vector<64x64xi1> to vector<64x64xi32>
    %convert_element_type3A_19 = arith.sitofp %convert_element_type3A : vector<64x64xi32> to vector<64x64xf32>
    %dot_general3A = arith.constant dense<0.000000e+00> : vector<1x64xf32>
    %dot_general3A_20 = tpu.matmul %mul3A_17, %convert_element_type3A_19, %dot_general3A {dimension_numbers = #tpu.dot_dimension_numbers<[1], [0], [0], [1], [0, 0, 1, 1], [], []>, transpose_lhs_hint = false} : vector<1x64xf32>, vector<64x64xf32>, vector<1x64xf32> -> vector<1x64xf32>
    %add3A_21 = vector.broadcast %get3A_4 : vector<1x1xf32> to vector<1x64xf32>
    %add3A_22 = arith.addf %add3A_21, %dot_general3A_20 : vector<1x64xf32>
    %swap3A = arith.constant 0 : index
    %swap3A_23 = arith.constant 0 : index
    %swap3A_24 = vector.load %arg3[%swap3A, %swap3A_23] : memref<1x64xf32, #tpu.memory_space<vmem>>, vector<1x64xf32>
    tpu.vector_store %arg3[%swap3A, %swap3A_23], %add3A_22 {strides = array<i32>} : memref<1x64xf32, #tpu.memory_space<vmem>>, vector<1x64xf32>,
    return
  }
}

</mosaic_0001>

<sc_bundles>
// kernel: kernel.4.cloned.1.call-start
scs
__scs_entry_jumppad:
0x0: {  	(pc) =	sbr.rel $0x88, $3  }
0x1: {  	(tag) =	ssettag $0x0;
	lr =	simm.s32 $0x1  }
0x2: {  	[smem:$0x3F9D] =	sst lr;
	_ =	strace $0xD0000000  }
0x3: {  	_ = 	snop  }
0x4: {  	_ = 	snop  }
0x5: {  	_ = 	snop  }
0x6: {  	_ = 	snop  }
0x7: {  	_ = 	snop  }
__scs_overlays_trampoline_lowered:
0x8: {  	[smem:$0x3FAC] =	sst s0  }
0x9: {  	[smem:$0x3FAD] =	sst s1  }
0xa: {  	[smem:$0x3FAE] =	sst s2  }
0xb: {  	[smem:$0x3FAF] =	sst s3  }
0xc: {  	[smem:$0x3FB0] =	sst s4  }
0xd: {  	[smem:$0x3FB1] =	sst s5  }
0xe: {  	[smem:$0x3FB2] =	sst s6  }
0xf: {  	[smem:$0x3FB3] =	sst s7  }
0x10: {  	[smem:$0x3FB4] =	sst s8  }
0x11: {  	[smem:$0x3FB5] =	sst s9;
	s0 =	simm.s32 @!p0 $0x0  }
0x12: {  	s1 =	sld [smem:$0x3F9B];
	s0 =	simm.s32 @p0 $0x1  }
0x13: {  	[smem:$0x3FB6] =	sst s0;
	s0 =	simm.s32 @!p1 $0x0  }
0x14: {  	s2 =	sld [smem:$0x3F9A];
	s0 =	simm.s32 @p1 $0x1  }
0x15: {  	[smem:$0x3FB7] =	sst s0;
	s0 =	simm.s32 @!p2 $0x0  }
0x16: {  	s3 =	sld [smem:$0x3FDB];
	s0 =	simm.s32 @p2 $0x1  }
0x17: {  	s4 =	simm.s32 $0x1BF5;
	[smem:$0x3FB9] =	sst s0  }
0x18: {  	s0 =	sld [smem:$0x3F9C];
	_ =	swait.ge [sflag:s4], $0x0  }
0x19: {  	s7 =	sld [smem:$0x3F9D]  }
0x1a: {  	s8 =	sadd.s32 $0xFFFFE003, lr  }
0x1b: {  	s9 =	sadd.s32 $0xFFFFFEF7, lr;
	s5 =	simm.s32 $0xFFFFFFFF;
	p2 =	slt.u32 s8, $0xFFFFF086  }
0x1c: {  	p1 =	slt.u32 s9, $0xF7A;
	s5 =	simm.s32 @!p2 $0x0  }
0x1d: {  	s5 =	simm.s32 @p1 $0x1;
	p0 =	seq.s32 s7, s2  }
0x1e: {  	s7 =	smul.u32 @!p0 $0xF7A, s2;
	p2 =	seq.s32 @!p0 s5, $0x0  }
0x1f: {  	s9 =	smul.u32 $0xF7A, s1;
	s8 =	simm.s32 @!p0 $0x1BF5;
	p2 =	por !p2, p0  }
0x20: {  	[sflag:s8] =	ssyncset.s32 @!p0 $0xFFFFF086;
	s6 =	sadd.s32 @!p0 s3, s7;
	s7 =	simm.s32 @!p0 $0x108  }
0x21: {  	s3 =	sadd.s32 s3, s9;
	s6 =	sadd.s32 @!p0 $0x88, s6;
	s7 =	simm.s32 @p2 $0x1082  }
0x22: {  	[simem:s7], [sflag:s8] =	dma.local @!p0 [hbm:s6], $0xF7A  }
0x23: {  	s9 =	sor.u32 $0xD0000000, s2;
	s6 =	simm.s32 $0x108;
	_ =	swait.ge @!p0 [sflag:s8], $0x0  }
0x24: {  	s3 =	sadd.s32 $0x88, s3;
	s6 =	simm.s32 @!p1 $0x1082;
	[sflag:s4] =	ssyncset.s32 $0xFFFFF086  }
0x25: {  	[simem:s6], [sflag:s4] =	dma.local [hbm:s3], $0xF7A  }
0x26: {  	[smem:$0x3F9D] =	sst s1;
	(tag) =	ssettag s2;
	_ =	strace s9  }
0x27: {  	s1 =	sld [smem:$0x3FAD]  }
0x28: {  	s2 =	sld [smem:$0x3FAE]  }
0x29: {  	s4 =	sld [smem:$0x3FB0]  }
0x2a: {  	p0 =	seq.s32 s5, $0x0;
	s5 =	sld [smem:$0x3FB1]  }
0x2b: {  	s6 =	sld [smem:$0x3FB2]  }
0x2c: {  	s7 =	sld [smem:$0x3FB3]  }
0x2d: {  	s3 =	simm.s32 $0x108;
	s8 =	sld [smem:$0x3FB4]  }
0x2e: {  	s3 =	simm.s32 @!p0 $0x1082;
	s9 =	sld [smem:$0x3FB5]  }
0x2f: {  	lr =	sadd.s32 s0, s3;
	s0 =	sld [smem:$0x3FAC]  }
0x30: {  	s3 =	sld [smem:$0x3FAF]  }
0x31: {  	[smem:$0x3FB8] =	sst s10  }
0x32: {  	s10 =	sld [smem:$0x3FB6];
	_ =	sdelay $0x3  }
0x33: {  	p0 =	seq.s32 s10, $0x1;
	s10 =	sld [smem:$0x3FB8];
	_ =	sdelay $0x3  }
0x34: {  	[smem:$0x3FB8] =	sst s10  }
0x35: {  	s10 =	sld [smem:$0x3FB7];
	_ =	sdelay $0x3  }
0x36: {  	p1 =	seq.s32 s10, $0x1;
	s10 =	sld [smem:$0x3FB8];
	_ =	sdelay $0x3  }
0x37: {  	[smem:$0x3FB8] =	sst s10  }
0x38: {  	s10 =	sld [smem:$0x3FB9]  }
0x39: {  	_ = 	snop;
	(pc) =	sbr.ind lr, $3  }
0x3a: {  	_ = 	snop  }
0x3b: {  	_ = 	snop  }
0x3c: {  	p2 =	seq.s32 s10, $0x1;
	s10 =	sld [smem:$0x3FB8]  }
0x3d: {  	_ =	shalt  }
0x3e: {  	_ =	shalt  }
0x3f: {  	_ =	shalt  }
0x40: {  	_ =	shalt  }
0x41: {  	_ =	shalt  }
0x42: {  	_ =	shalt  }
0x43: {  	_ =	shalt  }
0x44: {  	_ =	shalt  }
0x45: {  	_ =	shalt  }
0x46: {  	_ =	shalt  }
0x47: {  	_ =	shalt  }
0x48: {  	_ =	shalt  }
0x49: {  	_ =	shalt  }
0x4a: {  	_ =	shalt  }
0x4b: {  	_ =	shalt  }
0x4c: {  	_ =	shalt  }
0x4d: {  	_ =	shalt  }
0x4e: {  	_ =	shalt  }
0x4f: {  	_ =	shalt  }
0x50: {  	_ =	shalt  }
0x51: {  	_ =	shalt  }
0x52: {  	_ =	shalt  }
0x53: {  	_ =	shalt  }
0x54: {  	_ =	shalt  }
0x55: {  	_ =	shalt  }
0x56: {  	_ =	shalt  }
0x57: {  	_ =	shalt  }
0x58: {  	_ =	shalt  }
0x59: {  	_ =	shalt  }
0x5a: {  	_ =	shalt  }
0x5b: {  	_ =	shalt  }
0x5c: {  	_ =	shalt  }
0x5d: {  	_ =	shalt  }
0x5e: {  	_ =	shalt  }
0x5f: {  	_ =	shalt  }
0x60: {  	_ =	shalt  }
0x61: {  	_ =	shalt  }
0x62: {  	_ =	shalt  }
0x63: {  	_ =	shalt  }
0x64: {  	_ =	shalt  }
0x65: {  	_ =	shalt  }
0x66: {  	_ =	shalt  }
0x67: {  	_ =	shalt  }
0x68: {  	_ =	shalt  }
0x69: {  	_ =	shalt  }
0x6a: {  	_ =	shalt  }
0x6b: {  	_ =	shalt  }
0x6c: {  	_ =	shalt  }
0x6d: {  	_ =	shalt  }
0x6e: {  	_ =	shalt  }
0x6f: {  	_ =	shalt  }
0x70: {  	_ =	shalt  }
0x71: {  	_ =	shalt  }
0x72: {  	_ =	shalt  }
0x73: {  	_ =	shalt  }
0x74: {  	_ =	shalt  }
0x75: {  	_ =	shalt  }
0x76: {  	_ =	shalt  }
0x77: {  	_ =	shalt  }
0x78: {  	_ =	shalt  }
0x79: {  	_ =	shalt  }
0x7a: {  	_ =	shalt  }
0x7b: {  	_ =	shalt  }
0x7c: {  	_ =	shalt  }
0x7d: {  	_ =	shalt  }
0x7e: {  	_ =	shalt  }
0x7f: {  	_ =	shalt  }
0x80: {  	_ =	shalt  }
0x81: {  	_ =	shalt  }
0x82: {  	_ =	shalt  }
0x83: {  	_ =	shalt  }
0x84: {  	_ =	shalt  }
0x85: {  	_ =	shalt  }
0x86: {  	_ =	shalt  }
0x87: {  	_ =	shalt  }
.Lfunc_end0:
.L_simem_size_0:
called_computation_lowered:
.L_overlay_start_0:
0x88: {  	s2 =	sld [smem:$0x3FD9]  }
0x89: {  	s3 =	sld [smem:$0x3FFE];
	_ =	sdelay $0x1  }
0x8a: {  	s1 =	srdreg.scid  }
0x8b: {  	s0 =	sand.u32 $0x1, s1  }
0x8c: {  	s17 =	sshll.u32 s0, $0xA;
	s2 =	sadd.s32 s3, s2  }
0x8d: {  	s2 =	sadd.s32 s2, s17  }
0x8e: {  	[smem:$0x3FC4] =	sst s2  }
0x8f: {  	_ = 	snop  }
0x90: {  	s2 =	sld [smem:$0x3FD0];
	(tm) =	ssettm $0x1  }
0x91: {  	s18 =	sld [smem:$0x3FFB];
	_ =	sdelay $0x3  }
0x92: {  	_ =	strace s18  }
0x93: {  	s3 =	sld [smem:$0x3FFC];
	_ =	sdelay $0x3  }
0x94: {  	_ =	strace s3  }
0x95: {  	s3 =	sld [smem:$0x3FFD];
	_ =	sdelay $0x3  }
0x96: {  	_ =	strace s3  }
0x97: {  	_ =	strace $0x8FFFFFFF  }
0x98: {  	s19 =	sld [smem:$0x3FDB];
	_ =	sdelay $0x1  }
0x99: {  	s4 =	simm.s32 $_scs_section_size  }
0x9a: {  	s5 =	simm.s32 $_size__tile_overlayer_lowered;
	s6 =	simm.s32 $_tile_overlayer_lowered  }
0x9b: {  	s22 =	simm.s32 $0x1BFF;
	s21 =	sshll.u32 s6, $0x1;
	s3 =	sadd.s32 s4, s19  }
0x9c: {  	s7 =	simm.s32 $0x0;
	s20 =	sshll.u32 s5, $0x1;
	s5 =	sadd.s32 s21, s3  }
0x9d: {  	[timem:s7], [sflag:s22] =	dma.local [hbm:s5], s20  }
0x9e: {  	_ =	swait.ge [sflag:s22], s20  }
0x9f: {  	s4 =	ssub.s32 $0x0, s20;
	[sflag:s22] =	ssyncset.done $0x0  }
0xa0: {  	[sflag:s22] =	ssyncadd.s32 s4;
	_ =	sdelay $0x1  }
0xa1: {  	s23 =	simm.s32 $0x1B8B  }
0xa2: {  	_ =	swait.ge [sflag:s23], $0x1  }
0xa3: {  	[sflag:s23] =	ssyncset.done $0x0  }
0xa4: {  	s25 =	simm.s32 $0x1B8E;
	s24 =	sld [smem:$0x3FFE];
	[sflag:s23] =	ssyncadd.s32 $0xFFFFFFFF  }
0xa5: {  	s26 =	simm.s32 $execute0_lowered;
	[smem:$0x3FD2] =	sst s25  }
0xa6: {  	s5 =	sshll.u32 s26, $0x1;
	_ =	strace $0x80000046;
	[dreg:$0x1] =	wrdreg $0xFFFFFFFF  }
0xa7: {  	s28 =	simm.s32 $_size_execute0_lowered;
	s3 =	sadd.s32 s3, s5;
	[dreg:$0x0] =	wrdreg $0x0  }
0xa8: {  	s5 =	sshll.u32 s28, $0x1;
	[dreg:$0x2] =	wrdreg s3  }
0xa9: {  	[dreg:$0x3] =	wrdreg s5  }
0xaa: {  	[dreg:$0x4] =	wrdreg $0xC0  }
0xab: {  	_ =	task [dreg:s7], $0x5FFFF  }
0xac: {  	[dreg:$0x1] =	wrdreg $0xFFFFFFFF  }
0xad: {  	[dreg:$0x0] =	wrdreg $0x60  }
0xae: {  	[dreg:$0x2] =	wrdreg s24  }
0xaf: {  	[dreg:$0x3] =	wrdreg s2  }
0xb0: {  	[dreg:$0x4] =	wrdreg $0x9  }
0xb1: {  	_ =	task.clear_ibuf [dreg:s7], $0x5FFFF;
	_ =	strace $0x90000046  }
0xb2: {  	s29 =	simm.s32 $0x9;
	_ =	strace $0x80000048  }
0xb3: {  	_ =	swait.ge [sflag:s29], $0x1  }
0xb4: {  	[sflag:s29] =	ssyncadd.s32 $0xFFFFFFFF  }
0xb5: {  	_ =	strace $0x90000048  }
0xb6: {  	_ =	sfence  }
0xb7: {  	s30 =	sld [smem:$0x0];
	_ =	sdelay $0x2  }
0xb8: {  	s31 =	sshll.u32 s1, $0xD;
	s1 =	sshrl.u32 s1, $0x2  }
0xb9: {  	s3 =	sand.u32 $0x4000, s31;
	s1 =	sadd.s32 s1, s30  }
0xba: {  	s0 =	sor.u32 s3, s0;
	s1 =	sshll.u32 s1, $0x11  }
0xbb: {  	s0 =	sor.u32 s1, s0  }
0xbc: {  	s0 =	sadd.s32 $0x8F2B, s0  }
0xbd: {  	[sflag:s0] =	ssyncadd.remote.s32 $0x1  }
0xbe: {  	_ =	sfence.sel $0xFFFF  }
0xbf: {  	[dreg:$0x0] =	wrdreg $0xFFFFFFFF;
	(pc) =	sbr.abs _section_cstart, $3  }
0xc0: {  	[dreg:$0x1] =	wrdreg $0xFFFFFFFF  }
0xc1: {  	_ =	task.clear_ibuf [dreg:s7], $0x2FFFF;
	_ =	strace $0x9FFFFFFF  }
0xc2: {  	(tm) =	ssettm $0x7FFFFFFF  }
0xc3: {  	_ =	shalt  }
tec
execute0_lowered:
.L_overlay_start_1:
0x0: {  	(tag) =	ssettag $0x1  }
0x1: {  	s4 =	rddreg [dreg:$0x0]  }
0x2: {  	s2 =	rddreg [dreg:$0x1]  }
0x3: {  	s0 =	rddreg [dreg:$0x2]  }
0x4: {  	s3 =	simm.s32 $0x0;
	s1 =	stileid.u32;
	s5 =	srdreg.scid  }
0x5: {  	s11 =	simm.s32 $0x1C00;
	s12 =	simm.s32 $0x62000;
	s13 =	simm.s32 $0xE000  }
0x6: {  	s14 =	simm.s32 $0x0;
	s17 =	simm.s32 $0x0;
	[smem:$0x7FF] =	sst s3  }
0x7: {  	s7 =	sshrl.u32 s1, $0x1;
	s5 =	sand.u32 $0x1, s5;
	s8 =	sshll.u32 s1, $0x1  }
0x8: {  	s6 =	smul.u32 $0x62000, s7;
	_ =	strace $0x80000047;
	s9 =	ssub.s32 $0x2, s5  }
0x9: {  	s8 =	sand.u32 $0x2, s8;
	s7 =	smul.u32 $0xC400, s7;
	s10 =	sshrl.u32 s9, $0x1  }
0xa: {  	s5 =	sor.u32 s5, s8;
	s6 =	sadd.s32 s6, s4;
	s4 =	sadd.s32 $0x310A00, s4  }
0xb: {  	s31 =	ssub.s32 s9, s10;
	s5 =	smul.u32 $0x3100, s5;
	s9 =	simm.s32 $0xE380  }
0xc: {  	v0 =	vimm.f32 $0.0e+00;
	s10 =	simm.s32 $0x1;
	s6 =	sadd.s32 $0xA00, s6;
	s8 =	smax.u32 s31, $0x1  }
.LBB2_1:
0xd: {  	[tilespmem:s9], [sflag:$0x1] =	stream.linear.gather [hbm4b:s2+s3], $0x80, $0x38;
	[tilespmem:$0xE400] =	vst v63  }
0xe: {  	_ =	swait.ge [sflag:s10], $0x80  }
0xf: {  	[sflag:s10] =	ssyncset.done $0x0  }
0x10: {  	s15 =	simm.s32 $0x0;
	[sflag:s10] =	ssyncadd.s32 $0xFFFFFF80  }
.LBB2_2:
0x11: {  	s16 =	smul.u32 $0x380, s15;
	_ =	sdelay $0x1  }
0x12: {  	s16 =	sadd.s32 s5, s16  }
0x13: {  	s18 =	sadd.s32 s16, s6  }
0x14: {  	[tilespmem:s17], [sflag:$0x1] =	stream.strided.gather [hbm4b:s18+s11], $0xE000, s12, s11, $0x38;
	[tilespmem:$0xE400] =	vst v63  }
0x15: {  	_ =	swait.ge [sflag:s10], $0xE000  }
0x16: {  	[sflag:s10] =	ssyncset.done $0x0  }
0x17: {  	s18 =	simm.s32 $0x0;
	[sflag:s10] =	ssyncadd.s32 $0xFFFF2000  }
.LBB2_3:
0x18: {  	s19 =	sshll.u32 s18, $0x4  }
0x19: {  	s21 =	simm.s32 $0x0;
	s20 =	sand.u32 $0x70, s19  }
0x1a: {  	s22 =	smul.u32 $0x7000, s21;
	v1 =	vmov s20  }
0x1b: {  	s30 =	sshll.u32 s18, $0x7  }
0x1c: {  	s21 =	sand.u32 $0x1C00, s30;
	s22 =	sshra.s32 s22, $0x2  }
0x1d: {  	s23 =	sand.u32 $0x200, s17;
	s24 =	simm.s32 $0x0;
	s22 =	sadd.s32 s22, s21  }
0x1e: {  	s31 =	smul.u32 $0x7000, s24;
	s23 =	sadd.s32 s23, s22  }
0x1f: {  	v2 =	vld.idx.msk [tilespmem:v1+s23+$0x180 ss:$0x1], $0xffff  }
0x20: {  	s24 =	sshra.s32 s31, $0x2;
	s22 =	simm.s32 $0x200;
	v3 =	vld.idx.msk [tilespmem:v1+s23+$0x0 ss:$0x1], $0xffff  }
0x21: {  	v4 =	vimm.f32 $-Inf;
	s24 =	sadd.s32 s24, s21;
	s25 =	sand.u32 $0x200, s22;
	v5 =	vld.idx.msk [tilespmem:v1+s23+$0x80 ss:$0x1], $0xffff  }
0x22: {  	v7 =	vimm.f32 $-Inf;
	v8 =	vimm.f32 $-Inf;
	v9 =	vimm.f32 $-Inf;
	v6 =	vld.idx.msk [tilespmem:v1+s23+$0x100 ss:$0x1], $0xffff;
	s23 =	simm.s32 $0x2;
	s24 =	sadd.s32 s25, s24  }
.LBB2_4:
0x23: {  	s25 =	sshrl.u32 s23, $0x1  }
0x24: {  	p0 =	sne.s32 s23, $0xF;
	s23 =	sadd.s32 $0x1, s23;
	v4 =	vmax.f32 v4, v2;
	v2 =	vld.idx.msk [tilespmem:v1+s24+$0x180 ss:$0x1], $0xffff;
	s25 =	smul.u32 $0x7000, s25  }
.Ltmp0:
0x25: {  	v7 =	vmax.f32 v7, v3;
	v3 =	vld.idx.msk [tilespmem:v1+s24+$0x0 ss:$0x1], $0xffff;
	(pc) =	sbr.rel @p0 .LBB2_4-.Ltmp0, $4  }
0x26: {  	v8 =	vmax.f32 v8, v5;
	v5 =	vld.idx.msk [tilespmem:v1+s24+$0x80 ss:$0x1], $0xffff  }
0x27: {  	s22 =	sadd.s32 $0x200, s22;
	v9 =	vmax.f32 v9, v6;
	s25 =	sshra.s32 s25, $0x2;
	v6 =	vld.idx.msk [tilespmem:v1+s24+$0x100 ss:$0x1], $0xffff  }
0x28: {  	s24 =	sand.u32 $0x200, s22;
	s25 =	sadd.s32 s25, s21  }
0x29: {  	s24 =	sadd.s32 s24, s25  }
0x2a: {  	_ =	sdelay $0x3  }
0x2b: {  	v10 =	vld.idx.msk [tilespmem:v1+s24+$0x180 ss:$0x1], $0xffff  }
0x2c: {  	v11 =	vld.idx.msk [tilespmem:v1+s24+$0x0 ss:$0x1], $0xffff  }
0x2d: {  	v12 =	vld.idx.msk [tilespmem:v1+s24+$0x80 ss:$0x1], $0xffff  }
0x2e: {  	v13 =	vld.idx.msk [tilespmem:v1+s24+$0x100 ss:$0x1], $0xffff;
	_ =	sdelay $0x2  }
0x2f: {  	v2 =	vmax.f32 v4, v2;
	v3 =	vmax.f32 v7, v3  }
0x30: {  	v4 =	vmax.f32 v8, v5;
	v5 =	vmax.f32 v9, v6;
	v2 =	vmax.f32 v2, v10  }
0x31: {  	v3 =	vmax.f32 v3, v11;
	v4 =	vmax.f32 v4, v12;
	v5 =	vmax.f32 v5, v13  }
0x32: {  	v3 =	vmax.f32 v3, v4;
	v2 =	vmax.f32 v5, v2  }
0x33: {  	v2 =	vmax.f32 v3, v2  }
0x34: {  	s22 =	simm.s32 $0x0;
	s23 =	simm.s32 $0x0;
	v3 =	vadd.f32 $-1.000000000e+00, v2;
	v2 =	vadd.f32 $-1.562500000e-02, v2  }
.LBB2_6:
0x35: {  	s24 =	simm.s32 $0x0  }
0x36: {  	s24 =	smul.u32 $0x7000, s24;
	_ =	sdelay $0x1  }
0x37: {  	s24 =	sshra.s32 s24, $0x2  }
0x38: {  	s25 =	sand.u32 $0x200, s22;
	s24 =	sadd.s32 s24, s21  }
0x39: {  	s24 =	sadd.s32 s25, s24  }
0x3a: {  	v5 =	vld.idx.msk [tilespmem:v1+s24+$0x180 ss:$0x1], $0xffff  }
0x3b: {  	s28 =	simm.s32 $0x0;
	v7 =	vld.idx.msk [tilespmem:v1+s24+$0x0 ss:$0x1], $0xffff  }
0x3c: {  	v4 =	vadd.f32 v2, v3;
	s25 =	smul.u32 $0x7000, s28;
	v8 =	vld.idx.msk [tilespmem:v1+s24+$0x80 ss:$0x1], $0xffff  }
0x3d: {  	v9 =	vld.idx.msk [tilespmem:v1+s24+$0x100 ss:$0x1], $0xffff  }
0x3e: {  	s30 =	simm.s32 $0x200;
	v4 =	vmul.f32 $5.000000000e-01, v4;
	s29 =	sshra.s32 s25, $0x2  }
0x3f: {  	s26 =	simm.s32 $0x1;
	s25 =	sand.u32 $0x200, s30;
	s24 =	sadd.s32 s29, s21  }
0x40: {  	s31 =	smul.u32 $0x7000, s26;
	s25 =	sadd.s32 s25, s24;
	v10 =	vsub.f32 v5, v4  }
0x41: {  	v6 =	vld.idx.msk [tilespmem:v1+s25+$0x180 ss:$0x1], $0xffff;
	v7 =	vsub.f32 v7, v4;
	v11 =	vsub.f32 v8, v4  }
0x42: {  	s26 =	sshra.s32 s31, $0x2;
	s24 =	simm.s32 $0x400;
	v5 =	vimm.f32 $0.0e+00;
	v8 =	vld.idx.msk [tilespmem:v1+s25+$0x0 ss:$0x1], $0xffff;
	v13 =	vsub.f32 v9, v4;
	v10 =	vmax.f32 v10, $0.0e+00  }
0x43: {  	s26 =	sadd.s32 s26, s21;
	s28 =	sand.u32 $0x200, s24;
	v9 =	vld.idx.msk [tilespmem:v1+s25+$0x80 ss:$0x1], $0xffff;
	v14 =	vmax.f32 v7, $0.0e+00;
	v7 =	vadd.f32 v10, v5;
	v10 =	vmax.f32 v11, $0.0e+00  }
0x44: {  	v12 =	vld.idx.msk [tilespmem:v1+s25+$0x100 ss:$0x1], $0xffff;
	s25 =	simm.s32 $0x3;
	s26 =	sadd.s32 s28, s26;
	v13 =	vmax.f32 v13, $0.0e+00;
	v11 =	vadd.f32 v14, v5;
	v10 =	vadd.f32 v10, v5  }
.LBB2_7:
0x45: {  	s28 =	sshrl.u32 s25, $0x1  }
0x46: {  	p0 =	sne.s32 s25, $0xF;
	s25 =	sadd.s32 $0x1, s25;
	v14 =	vsub.f32 v6, v4;
	v6 =	vld.idx.msk [tilespmem:v1+s26+$0x180 ss:$0x1], $0xffff;
	v5 =	vadd.f32 v13, v5;
	s28 =	smul.u32 $0x7000, s28  }
.Ltmp1:
0x47: {  	v13 =	vsub.f32 v8, v4;
	v8 =	vld.idx.msk [tilespmem:v1+s26+$0x0 ss:$0x1], $0xffff;
	(pc) =	sbr.rel @p0 .LBB2_7-.Ltmp1, $4  }
0x48: {  	v15 =	vsub.f32 v9, v4;
	v9 =	vld.idx.msk [tilespmem:v1+s26+$0x80 ss:$0x1], $0xffff;
	v14 =	vmax.f32 v14, $0.0e+00  }
0x49: {  	s24 =	sadd.s32 $0x200, s24;
	v13 =	vmax.f32 v13, $0.0e+00;
	v16 =	vsub.f32 v12, v4;
	s28 =	sshra.s32 s28, $0x2;
	v12 =	vld.idx.msk [tilespmem:v1+s26+$0x100 ss:$0x1], $0xffff;
	v7 =	vadd.f32 v14, v7  }
0x4a: {  	s26 =	sand.u32 $0x200, s24;
	v11 =	vadd.f32 v13, v11;
	v13 =	vmax.f32 v15, $0.0e+00;
	s28 =	sadd.s32 s28, s21  }
0x4b: {  	v10 =	vadd.f32 v13, v10;
	v13 =	vmax.f32 v16, $0.0e+00;
	s26 =	sadd.s32 s26, s28  }
0x4c: {  	_ =	sdelay $0x3  }
0x4d: {  	v14 =	vld.idx.msk [tilespmem:v1+s26+$0x180 ss:$0x1], $0xffff  }
0x4e: {  	v15 =	vld.idx.msk [tilespmem:v1+s26+$0x0 ss:$0x1], $0xffff  }
0x4f: {  	v6 =	vsub.f32 v6, v4;
	v16 =	vld.idx.msk [tilespmem:v1+s26+$0x80 ss:$0x1], $0xffff;
	v8 =	vsub.f32 v8, v4  }
0x50: {  	v17 =	vld.idx.msk [tilespmem:v1+s26+$0x100 ss:$0x1], $0xffff;
	v5 =	vadd.f32 v13, v5;
	v9 =	vsub.f32 v9, v4  }
0x51: {  	v6 =	vmax.f32 v6, $0.0e+00;
	v8 =	vmax.f32 v8, $0.0e+00;
	v12 =	vsub.f32 v12, v4  }
0x52: {  	v6 =	vadd.f32 v6, v7;
	v54 =	vadd.f32 v8, v11;
	v55 =	vmax.f32 v9, $0.0e+00  }
0x53: {  	v8 =	vadd.f32 v55, v10;
	v56 =	vsub.f32 v14, v4  }
0x54: {  	v57 =	vmax.f32 v12, $0.0e+00;
	v58 =	vsub.f32 v15, v4;
	v59 =	vsub.f32 v16, v4  }
0x55: {  	v60 =	vsub.f32 v17, v4;
	v5 =	vadd.f32 v57, v5  }
0x56: {  	v9 =	vmax.f32 v56, $0.0e+00;
	v61 =	vmax.f32 v58, $0.0e+00;
	v62 =	vmax.f32 v59, $0.0e+00  }
0x57: {  	v63 =	vmax.f32 v60, $0.0e+00;
	v6 =	vadd.f32 v9, v6;
	v7 =	vadd.f32 v61, v54  }
0x58: {  	v8 =	vadd.f32 v62, v8;
	v5 =	vadd.f32 v63, v5  }
0x59: {  	s23 =	sadd.s32 $0x1, s23  }
0x5a: {  	p0 =	sne.s32 s23, $0xC;
	v7 =	vadd.f32 v8, v7;
	v5 =	vadd.f32 v6, v5  }
.Ltmp2:
0x5b: {  	_ = 	snop;
	(pc) =	sbr.rel @p0 .LBB2_6-.Ltmp2, $3  }
0x5c: {  	v5 =	vadd.f32 v5, v7;
	_ =	sdelay $0x1  }
0x5d: {  	vm0 =	vgt.f32 v5, $1.000000000e+00  }
0x5e: {  	v3 =	vsel vm0, v4, v3;
	v2 =	vsel vm0, v2, v4  }
0x5f: {  	s22 =	simm.s32 $0x0  }
0x60: {  	s22 =	smul.u32 $0x7000, s22;
	_ =	sdelay $0x1  }
0x61: {  	s23 =	simm.s32 $0x0;
	s22 =	sshra.s32 s22, $0x2  }
0x62: {  	s23 =	sand.u32 $0x200, s23;
	s22 =	sadd.s32 s22, s21  }
0x63: {  	s22 =	sadd.s32 s23, s22  }
0x64: {  	v4 =	vld.idx.msk [tilespmem:v1+s22+$0x180 ss:$0x1], $0xffff  }
0x65: {  	s28 =	simm.s32 $0x0;
	v5 =	vld.idx.msk [tilespmem:v1+s22+$0x100 ss:$0x1], $0xffff  }
0x66: {  	s23 =	smul.u32 $0x7000, s28;
	v6 =	vld.idx.msk [tilespmem:v1+s22+$0x80 ss:$0x1], $0xffff  }
0x67: {  	v7 =	vld.idx.msk [tilespmem:v1+s22+$0x0 ss:$0x1], $0xffff  }
0x68: {  	s30 =	simm.s32 $0x200;
	s29 =	sshra.s32 s23, $0x2  }
0x69: {  	s23 =	sand.u32 $0x200, s30;
	s22 =	sadd.s32 s29, s21  }
0x6a: {  	s22 =	sadd.s32 s23, s22  }
0x6b: {  	v11 =	vld.idx.msk [tilespmem:v1+s22+$0x180 ss:$0x1], $0xffff;
	v5 =	vsub.f32 v5, v3;
	v8 =	vsub.f32 v4, v3  }
0x6c: {  	v10 =	vld.idx.msk [tilespmem:v1+s22+$0x100 ss:$0x1], $0xffff;
	v4 =	vimm.f32 $0.0e+00;
	v13 =	vsub.f32 v6, v3;
	v7 =	vsub.f32 v7, v3  }
0x6d: {  	s31 =	simm.s32 $0x1;
	v14 =	vld.idx.msk [tilespmem:v1+s22+$0x80 ss:$0x1], $0xffff;
	vm0 =	vgt.f32 v5, $0.0e+00;
	vm1 =	vgt.f32 v8, $0.0e+00;
	v5 =	vmax.f32 v5, $0.0e+00  }
0x6e: {  	s23 =	smul.u32 $0x7000, s31;
	v16 =	vld.idx.msk [tilespmem:v1+s22+$0x0 ss:$0x1], $0xffff;
	v8 =	vmax.f32 v8, $0.0e+00;
	vm2 =	vgt.f32 v7, $0.0e+00;
	v7 =	vmax.f32 v7, $0.0e+00  }
0x6f: {  	v9 =	vmax.f32 v13, $0.0e+00;
	v6 =	vadd.f32 v5, v4;
	v5 =	vadd.f32 v8, v4  }
0x70: {  	s22 =	simm.s32 $0x400;
	s23 =	sshra.s32 s23, $0x2;
	v8 =	vsel vm2, $0x3F800000, v0;
	v7 =	vadd.f32 v7, v4;
	v19 =	vsel vm0, $0x3F800000, v0  }
0x71: {  	s24 =	sand.u32 $0x200, s22;
	s23 =	sadd.s32 s23, s21;
	v17 =	vsel vm1, $0x3F800000, v0;
	v12 =	vadd.f32 v8, v4;
	v10 =	vsub.f32 v10, v3  }
0x72: {  	s24 =	sadd.s32 s24, s23;
	vm2 =	vgt.f32 v13, $0.0e+00;
	v11 =	vsub.f32 v11, v3;
	v8 =	vsub.f32 v14, v3  }
0x73: {  	v15 =	vld.idx.msk [tilespmem:v1+s24+$0x180 ss:$0x1], $0xffff;
	v14 =	vadd.f32 v17, v4;
	v13 =	vsub.f32 v16, v3;
	v17 =	vimm.f32 $0.0e+00  }
0x74: {  	s23 =	simm.s32 $0x3;
	v18 =	vld.idx.msk [tilespmem:v1+s24+$0x100 ss:$0x1], $0xffff;
	v16 =	vimm.f32 $0.0e+00;
	vm1 =	vgt.f32 v10, $0.0e+00;
	vm0 =	vgt.f32 v11, $0.0e+00  }
.LBB2_10:
0x75: {  	s25 =	sshrl.u32 s23, $0x1;
	p0 =	sne.s32 s23, $0xF;
	s23 =	sadd.s32 $0x1, s23;
	v20 =	vld.idx.msk [tilespmem:v1+s24+$0x80 ss:$0x1], $0xffff;
	v4 =	vadd.f32 v9, v4;
	v9 =	vsel vm2, $0x3F800000, v0;
	v17 =	vadd.f32 v19, v17  }
0x76: {  	v10 =	vmax.f32 v10, $0.0e+00;
	v11 =	vmax.f32 v11, $0.0e+00;
	s25 =	smul.u32 $0x7000, s25;
	v21 =	vld.idx.msk [tilespmem:v1+s24+$0x0 ss:$0x1], $0xffff;
	v16 =	vadd.f32 v9, v16  }
0x77: {  	v6 =	vadd.f32 v10, v6;
	v5 =	vadd.f32 v11, v5;
	vm2 =	vgt.f32 v13, $0.0e+00  }
.Ltmp3:
0x78: {  	s22 =	sadd.s32 $0x200, s22;
	v10 =	vmax.f32 v13, $0.0e+00;
	v9 =	vmax.f32 v8, $0.0e+00;
	v11 =	vsel vm2, $0x3F800000, v0;
	s24 =	sshra.s32 s25, $0x2;
	(pc) =	sbr.rel @p0 .LBB2_10-.Ltmp3, $4  }
0x79: {  	v19 =	vsel vm1, $0x3F800000, v0;
	v7 =	vadd.f32 v10, v7;
	s25 =	sand.u32 $0x200, s22;
	v12 =	vadd.f32 v11, v12;
	s24 =	sadd.s32 s24, s21  }
0x7a: {  	v13 =	vsel vm0, $0x3F800000, v0;
	v11 =	vsub.f32 v15, v3;
	v10 =	vsub.f32 v18, v3;
	s24 =	sadd.s32 s25, s24  }
0x7b: {  	vm2 =	vgt.f32 v8, $0.0e+00;
	v14 =	vadd.f32 v13, v14;
	v8 =	vsub.f32 v20, v3;
	v15 =	vld.idx.msk [tilespmem:v1+s24+$0x180 ss:$0x1], $0xffff  }
0x7c: {  	vm0 =	vgt.f32 v11, $0.0e+00;
	v13 =	vsub.f32 v21, v3;
	vm1 =	vgt.f32 v10, $0.0e+00;
	v18 =	vld.idx.msk [tilespmem:v1+s24+$0x100 ss:$0x1], $0xffff  }
0x7d: {  	_ =	sdelay $0x3  }
0x7e: {  	v21 =	vld.idx.msk [tilespmem:v1+s24+$0x0 ss:$0x1], $0xffff;
	_ =	sdelay $0x1  }
0x7f: {  	v20 =	vld.idx.msk [tilespmem:v1+s24+$0x80 ss:$0x1], $0xffff;
	v22 =	vsel vm2, $0x3F800000, v0;
	v17 =	vadd.f32 v19, v17;
	vm3 =	vgt.f32 v13, $0.0e+00  }
0x80: {  	v61 =	vsel vm0, $0x3F800000, v0;
	v16 =	vadd.f32 v22, v16;
	v19 =	vsel vm3, $0x3F800000, v0  }
0x81: {  	vm0 =	vgt.f32 v8, $0.0e+00;
	v14 =	vadd.f32 v61, v14;
	v12 =	vadd.f32 v19, v12  }
0x82: {  	v62 =	vsel vm0, $0x3F800000, v0;
	v15 =	vsub.f32 v15, v3;
	v21 =	vsub.f32 v21, v3  }
0x83: {  	v19 =	vsel vm1, $0x3F800000, v0;
	v16 =	vadd.f32 v62, v16;
	v18 =	vsub.f32 v18, v3  }
0x84: {  	v17 =	vadd.f32 v19, v17;
	v20 =	vsub.f32 v20, v3;
	vm0 =	vgt.f32 v21, $0.0e+00  }
0x85: {  	vm2 =	vgt.f32 v15, $0.0e+00;
	vm1 =	vgt.f32 v18, $0.0e+00;
	v19 =	vsel vm0, $0x3F800000, v0  }
0x86: {  	vm0 =	vgt.f32 v20, $0.0e+00;
	v12 =	vadd.f32 v19, v12;
	v19 =	vsel vm2, $0x3F800000, v0  }
0x87: {  	v63 =	vsel vm1, $0x3F800000, v0;
	v14 =	vadd.f32 v19, v14;
	v19 =	vsel vm0, $0x3F800000, v0  }
0x88: {  	v17 =	vadd.f32 v63, v17;
	v16 =	vadd.f32 v19, v16;
	_ =	sdelay $0x1  }
0x89: {  	v14 =	vadd.f32 v14, v17;
	v12 =	vadd.f32 v16, v12  }
0x8a: {  	v4 =	vadd.f32 v9, v4;
	v9 =	vmax.f32 v10, $0.0e+00;
	v10 =	vmax.f32 v11, $0.0e+00  }
0x8b: {  	v6 =	vadd.f32 v9, v6;
	v9 =	vmax.f32 v13, $0.0e+00;
	v11 =	vadd.f32 v14, v12  }
0x8c: {  	v8 =	vmax.f32 v8, $0.0e+00;
	v5 =	vadd.f32 v10, v5;
	v7 =	vadd.f32 v9, v7  }
0x8d: {  	v4 =	vadd.f32 v8, v4;
	v10 =	vmax.f32 v15, $0.0e+00;
	v9 =	vmax.f32 v11, $1.000000000e+00  }
0x8e: {  	v8 =	vmax.f32 v18, $0.0e+00;
	v5 =	vadd.f32 v10, v5;
	(erf) = vrcp.f32 v9  }
0x8f: {  	v6 =	vadd.f32 v8, v6;
	v8 =	vmax.f32 v21, $0.0e+00;
	v9 =	vmax.f32 v20, $0.0e+00  }
0x90: {  	s22 =	simm.s32 $0x0;
	v7 =	vadd.f32 v8, v7;
	v4 =	vadd.f32 v9, v4  }
0x91: {  	s22 =	smul.u32 $0x7000, s22  }
0x92: {  	v5 =	vadd.f32 v5, v6;
	v4 =	vadd.f32 v4, v7  }
0x93: {  	s23 =	simm.s32 $0x0;
	s22 =	sshra.s32 s22, $0x2  }
0x94: {  	s23 =	sand.u32 $0x200, s23;
	s22 =	sadd.s32 s22, s21;
	v4 =	vadd.f32 v5, v4  }
0x95: {  	s26 =	simm.s32 $0x0;
	s22 =	sadd.s32 s23, s22  }
0x96: {  	s23 =	smul.u32 $0x7000, s26;
	v8 =	vld.idx.msk [tilespmem:v1+s22+$0x0 ss:$0x1], $0xffff;
	v4 =	vadd.f32 $-1.000000000e+00, v4  }
0x97: {  	v7 =	vld.idx.msk [tilespmem:v1+s22+$0x100 ss:$0x1], $0xffff;
	v6 =	vpop (erf)  }
0x98: {  	s29 =	simm.s32 $0x200;
	s28 =	sshra.s32 s23, $0x2;
	v5 =	vld.idx.msk [tilespmem:v1+s22+$0x180 ss:$0x1], $0xffff;
	v4 =	vmul.f32 v6, v4  }
0x99: {  	s23 =	sand.u32 $0x200, s29;
	v6 =	vld.idx.msk [tilespmem:v1+s22+$0x80 ss:$0x1], $0xffff;
	s22 =	sadd.s32 s28, s21  }
0x9a: {  	s22 =	sadd.s32 s23, s22;
	v3 =	vadd.f32 v4, v3  }
0x9b: {  	v11 =	vld.idx.msk [tilespmem:v1+s22+$0x180 ss:$0x1], $0xffff  }
0x9c: {  	v10 =	vld.idx.msk [tilespmem:v1+s22+$0x100 ss:$0x1], $0xffff;
	v3 =	vmin.f32 v3, v2  }
0x9d: {  	v7 =	vsub.f32 v7, v3;
	v5 =	vsub.f32 v5, v3  }
0x9e: {  	v4 =	vimm.f32 $0.0e+00;
	v13 =	vsub.f32 v6, v3;
	v8 =	vsub.f32 v8, v3  }
0x9f: {  	s30 =	simm.s32 $0x1;
	v16 =	vld.idx.msk [tilespmem:v1+s22+$0x0 ss:$0x1], $0xffff;
	vm0 =	vgt.f32 v7, $0.0e+00;
	vm1 =	vgt.f32 v5, $0.0e+00;
	v6 =	vmax.f32 v7, $0.0e+00  }
0xa0: {  	s23 =	smul.u32 $0x7000, s30;
	v14 =	vld.idx.msk [tilespmem:v1+s22+$0x80 ss:$0x1], $0xffff;
	v5 =	vmax.f32 v5, $0.0e+00;
	vm2 =	vgt.f32 v8, $0.0e+00;
	v7 =	vmax.f32 v8, $0.0e+00  }
0xa1: {  	v9 =	vmax.f32 v13, $0.0e+00;
	v10 =	vsub.f32 v10, v3;
	v11 =	vsub.f32 v11, v3  }
0xa2: {  	s22 =	simm.s32 $0x400;
	s23 =	sshra.s32 s23, $0x2;
	v6 =	vadd.f32 v6, v4;
	v5 =	vadd.f32 v5, v4;
	v8 =	vsel vm2, $0x3F800000, v0  }
0xa3: {  	s31 =	sand.u32 $0x200, s22;
	s23 =	sadd.s32 s23, s21;
	v7 =	vadd.f32 v7, v4;
	v19 =	vsel vm0, $0x3F800000, v0;
	v17 =	vsel vm1, $0x3F800000, v0  }
0xa4: {  	s24 =	sadd.s32 s31, s23;
	vm2 =	vgt.f32 v13, $0.0e+00;
	v13 =	vsub.f32 v16, v3;
	v12 =	vadd.f32 v8, v4  }
0xa5: {  	v15 =	vld.idx.msk [tilespmem:v1+s24+$0x180 ss:$0x1], $0xffff;
	v16 =	vimm.f32 $0.0e+00;
	v8 =	vsub.f32 v14, v3;
	v14 =	vadd.f32 v17, v4  }
0xa6: {  	s23 =	simm.s32 $0x3;
	v18 =	vld.idx.msk [tilespmem:v1+s24+$0x100 ss:$0x1], $0xffff;
	vm1 =	vgt.f32 v10, $0.0e+00;
	vm0 =	vgt.f32 v11, $0.0e+00;
	v17 =	vimm.f32 $0.0e+00  }
.LBB2_12:
0xa7: {  	s25 =	sshrl.u32 s23, $0x1;
	p0 =	sne.s32 s23, $0xF;
	s23 =	sadd.s32 $0x1, s23;
	v20 =	vld.idx.msk [tilespmem:v1+s24+$0x80 ss:$0x1], $0xffff;
	v4 =	vadd.f32 v9, v4;
	v9 =	vsel vm2, $0x3F800000, v0;
	v17 =	vadd.f32 v19, v17  }
0xa8: {  	v10 =	vmax.f32 v10, $0.0e+00;
	v11 =	vmax.f32 v11, $0.0e+00;
	s25 =	smul.u32 $0x7000, s25;
	v21 =	vld.idx.msk [tilespmem:v1+s24+$0x0 ss:$0x1], $0xffff;
	v16 =	vadd.f32 v9, v16  }
0xa9: {  	v6 =	vadd.f32 v10, v6;
	v5 =	vadd.f32 v11, v5;
	vm2 =	vgt.f32 v13, $0.0e+00  }
.Ltmp4:
0xaa: {  	s22 =	sadd.s32 $0x200, s22;
	v10 =	vmax.f32 v13, $0.0e+00;
	v9 =	vmax.f32 v8, $0.0e+00;
	v11 =	vsel vm2, $0x3F800000, v0;
	s24 =	sshra.s32 s25, $0x2;
	(pc) =	sbr.rel @p0 .LBB2_12-.Ltmp4, $4  }
0xab: {  	v19 =	vsel vm1, $0x3F800000, v0;
	v7 =	vadd.f32 v10, v7;
	s25 =	sand.u32 $0x200, s22;
	v12 =	vadd.f32 v11, v12;
	s24 =	sadd.s32 s24, s21  }
0xac: {  	v13 =	vsel vm0, $0x3F800000, v0;
	v11 =	vsub.f32 v15, v3;
	v10 =	vsub.f32 v18, v3;
	s24 =	sadd.s32 s25, s24  }
0xad: {  	vm2 =	vgt.f32 v8, $0.0e+00;
	v14 =	vadd.f32 v13, v14;
	v8 =	vsub.f32 v20, v3;
	v15 =	vld.idx.msk [tilespmem:v1+s24+$0x180 ss:$0x1], $0xffff  }
0xae: {  	vm0 =	vgt.f32 v11, $0.0e+00;
	v13 =	vsub.f32 v21, v3;
	vm1 =	vgt.f32 v10, $0.0e+00;
	v18 =	vld.idx.msk [tilespmem:v1+s24+$0x100 ss:$0x1], $0xffff  }
0xaf: {  	_ =	sdelay $0x3  }
0xb0: {  	v20 =	vld.idx.msk [tilespmem:v1+s24+$0x80 ss:$0x1], $0xffff  }
0xb1: {  	v1 =	vld.idx.msk [tilespmem:v1+s24+$0x0 ss:$0x1], $0xffff  }
0xb2: {  	v21 =	vsel vm2, $0x3F800000, v0;
	v17 =	vadd.f32 v19, v17;
	v57 =	vsel vm1, $0x3F800000, v0  }
0xb3: {  	v58 =	vsel vm0, $0x3F800000, v0;
	vm3 =	vgt.f32 v13, $0.0e+00;
	v16 =	vadd.f32 v21, v16  }
0xb4: {  	v14 =	vadd.f32 v58, v14;
	v56 =	vsel vm3, $0x3F800000, v0;
	v17 =	vadd.f32 v57, v17  }
0xb5: {  	vm11 =	vgt.f32 v8, $0.0e+00;
	v12 =	vadd.f32 v56, v12;
	v15 =	vsub.f32 v15, v3  }
0xb6: {  	v59 =	vsel vm11, $0x3F800000, v0;
	v18 =	vsub.f32 v18, v3;
	v1 =	vsub.f32 v1, v3  }
0xb7: {  	v16 =	vadd.f32 v59, v16;
	v20 =	vsub.f32 v20, v3;
	vm14 =	vgt.f32 v15, $0.0e+00  }
0xb8: {  	vm12 =	vgt.f32 v18, $0.0e+00;
	v61 =	vsel vm14, $0x3F800000, v0;
	vm13 =	vgt.f32 v1, $0.0e+00  }
0xb9: {  	vm15 =	vgt.f32 v20, $0.0e+00;
	v62 =	vsel vm12, $0x3F800000, v0;
	v14 =	vadd.f32 v61, v14  }
0xba: {  	v60 =	vsel vm13, $0x3F800000, v0;
	v63 =	vsel vm15, $0x3F800000, v0;
	v17 =	vadd.f32 v62, v17  }
0xbb: {  	v12 =	vadd.f32 v60, v12;
	v16 =	vadd.f32 v63, v16;
	_ =	sdelay $0x1  }
0xbc: {  	v14 =	vadd.f32 v14, v17;
	v12 =	vadd.f32 v16, v12  }
0xbd: {  	v4 =	vadd.f32 v9, v4;
	v22 =	vmax.f32 v10, $0.0e+00;
	v23 =	vmax.f32 v11, $0.0e+00  }
0xbe: {  	v6 =	vadd.f32 v22, v6;
	v24 =	vmax.f32 v13, $0.0e+00;
	v25 =	vadd.f32 v14, v12  }
0xbf: {  	v26 =	vmax.f32 v8, $0.0e+00;
	v5 =	vadd.f32 v23, v5;
	v7 =	vadd.f32 v24, v7  }
0xc0: {  	v4 =	vadd.f32 v26, v4;
	v29 =	vmax.f32 v15, $0.0e+00;
	v28 =	vmax.f32 v25, $1.000000000e+00  }
0xc1: {  	v27 =	vmax.f32 v18, $0.0e+00;
	v5 =	vadd.f32 v29, v5;
	(erf) = vrcp.f32 v28  }
0xc2: {  	s20 =	sadd.s32 s20, s21;
	v6 =	vadd.f32 v27, v6;
	v1 =	vmax.f32 v1, $0.0e+00;
	v30 =	vmax.f32 v20, $0.0e+00  }
0xc3: {  	v33 =	vld [tilespmem:s20+$0x0];
	v1 =	vadd.f32 v1, v7;
	v4 =	vadd.f32 v30, v4  }
0xc4: {  	v34 =	vld [tilespmem:s20+$0x80]  }
0xc5: {  	v31 =	vadd.f32 v5, v6;
	v1 =	vadd.f32 v4, v1;
	v4 =	vld [tilespmem:$0xE380]  }
0xc6: {  	v35 =	vld [tilespmem:s20+$0x100]  }
0xc7: {  	v38 =	vld [tilespmem:s20+$0x200];
	v1 =	vadd.f32 v31, v1  }
0xc8: {  	v40 =	vld [tilespmem:s20+$0x280]  }
0xc9: {  	v44 =	vld [tilespmem:s20+$0x380];
	v1 =	vadd.f32 $-1.000000000e+00, v1  }
0xca: {  	v46 =	vld [tilespmem:s20+$0x1C00];
	v36 =	vbroadcast v4, $0x0;
	v32 =	vpop (erf)  }
0xcb: {  	v48 =	vld [tilespmem:s20+$0x1C80];
	v37 =	vbroadcast v4, $0x1;
	v1 =	vmul.f32 v32, v1  }
0xcc: {  	v51 =	vld [tilespmem:s20+$0x1D00];
	v39 =	vbroadcast v4, $0x2;
	v43 =	vbroadcast v4, $0x3  }
0xcd: {  	v21 =	vld [tilespmem:s20+$0x1F00];
	v45 =	vbroadcast v4, $0x4;
	v47 =	vbroadcast v4, $0x5;
	v1 =	vadd.f32 v1, v3  }
0xce: {  	v60 =	vld [tilespmem:s20+$0x1E00];
	v50 =	vbroadcast v4, $0x6;
	v52 =	vbroadcast v4, $0x7  }
0xcf: {  	v63 =	vld [tilespmem:s20+$0x1E80];
	v57 =	vbroadcast v4, $0x8;
	v61 =	vbroadcast v4, $0x9;
	v1 =	vmin.f32 v1, v2  }
0xd0: {  	v31 =	vld [tilespmem:s20+$0x3880];
	v62 =	vbroadcast v4, $0xA;
	v3 =	vsub.f32 v33, v1;
	v5 =	vsub.f32 v34, v1  }
0xd1: {  	v22 =	vbroadcast v4, $0xB;
	v32 =	vld [tilespmem:s20+$0x3900];
	v7 =	vsub.f32 v35, v1;
	v9 =	vsub.f32 v38, v1  }
0xd2: {  	v27 =	vbroadcast v4, $0xC;
	v11 =	vsub.f32 v40, v1;
	v10 =	vsub.f32 v44, v1  }
0xd3: {  	v42 =	vld [tilespmem:s20+$0x300];
	v30 =	vbroadcast v4, $0xE;
	v56 =	vsub.f32 v46, v1;
	v58 =	vsub.f32 v48, v1  }
0xd4: {  	v28 =	vbroadcast v4, $0xD;
	v59 =	vsub.f32 v51, v1;
	v25 =	vsub.f32 v60, v1  }
0xd5: {  	v4 =	vbroadcast v4, $0xF;
	v26 =	vsub.f32 v63, v1;
	v12 =	vsub.f32 v21, v1  }
0xd6: {  	v38 =	vsub.f32 v31, v1;
	v13 =	vsub.f32 v32, v1;
	v3 =	vmax.f32 v3, $0.0e+00  }
0xd7: {  	v5 =	vmax.f32 v5, $0.0e+00;
	v41 =	vmax.f32 v7, $0.0e+00;
	v9 =	vmax.f32 v9, $0.0e+00  }
0xd8: {  	v29 =	vld [tilespmem:s20+$0x3800];
	v7 =	vsub.f32 v42, v1;
	v49 =	vmax.f32 v11, $0.0e+00;
	v53 =	vmax.f32 v10, $0.0e+00  }
0xd9: {  	v2 =	vld [tilespmem:s20+$0x180];
	v19 =	vmax.f32 v58, $0.0e+00;
	v20 =	vmax.f32 v59, $0.0e+00;
	v3 =	vmul.f32 v3, v36  }
0xda: {  	v44 =	vld [tilespmem:s20+$0x3B00];
	v12 =	vmax.f32 v12, $0.0e+00;
	v5 =	vmul.f32 v5, v37;
	v6 =	vmul.f32 v41, v39  }
0xdb: {  	v60 =	vld [tilespmem:s20+$0x5500];
	v42 =	vmax.f32 v38, $0.0e+00;
	v8 =	vmul.f32 v9, v45;
	v9 =	vmul.f32 v49, v47  }
0xdc: {  	v54 =	vld [tilespmem:s20+$0x1D80];
	v13 =	vmax.f32 v13, $0.0e+00;
	v55 =	vmul.f32 v53, v52;
	v10 =	vmul.f32 v19, v61  }
0xdd: {  	v11 =	vmul.f32 v20, v62;
	v33 =	vmul.f32 v12, v30;
	v36 =	vsub.f32 v29, v1;
	v39 =	vld [tilespmem:s20+$0x3A00]  }
0xde: {  	v41 =	vld [tilespmem:s20+$0x3A80];
	v2 =	vsub.f32 v2, v1;
	v7 =	vmax.f32 v7, $0.0e+00;
	v3 =	vadd.f32 $0.0e+00, v3  }
0xdf: {  	v5 =	vadd.f32 $0.0e+00, v5;
	v6 =	vadd.f32 $0.0e+00, v6;
	v7 =	vmul.f32 v7, v50  }
0xe0: {  	v53 =	vsub.f32 v44, v1;
	v12 =	vsub.f32 v60, v1;
	v2 =	vmax.f32 v2, $0.0e+00  }
0xe1: {  	v24 =	vld [tilespmem:s20+$0x1F80];
	v2 =	vmul.f32 v2, v43;
	v3 =	vadd.f32 v8, v3;
	v5 =	vadd.f32 v9, v5  }
0xe2: {  	v6 =	vadd.f32 v7, v6;
	v8 =	vmax.f32 v56, $0.0e+00;
	v9 =	vsub.f32 v54, v1  }
0xe3: {  	v59 =	vmax.f32 v53, $0.0e+00;
	v50 =	vsub.f32 v39, v1;
	v52 =	vsub.f32 v41, v1  }
0xe4: {  	v8 =	vmul.f32 v8, v57;
	v2 =	vadd.f32 $0.0e+00, v2;
	v5 =	vadd.f32 v10, v5  }
0xe5: {  	v6 =	vadd.f32 v11, v6;
	v23 =	vmax.f32 v9, $0.0e+00;
	v11 =	vld [tilespmem:$0xE390];
	v10 =	vmax.f32 v26, $0.0e+00  }
0xe6: {  	v9 =	vsub.f32 v24, v1;
	v26 =	vmax.f32 v12, $0.0e+00;
	v3 =	vadd.f32 v8, v3  }
0xe7: {  	v54 =	vld [tilespmem:s20+$0x5400];
	v7 =	vmul.f32 v23, v22;
	v8 =	vmax.f32 v25, $0.0e+00;
	v10 =	vmul.f32 v10, v28  }
0xe8: {  	v58 =	vmax.f32 v52, $0.0e+00;
	v2 =	vadd.f32 v55, v2;
	v35 =	vmax.f32 v9, $0.0e+00  }
0xe9: {  	v8 =	vmul.f32 v8, v27;
	v6 =	vadd.f32 v33, v6;
	v4 =	vmul.f32 v35, v4  }
0xea: {  	v34 =	vld [tilespmem:s20+$0x3980];
	v9 =	vmax.f32 v36, $0.0e+00;
	v37 =	vbroadcast v11, $0x0;
	v40 =	vbroadcast v11, $0x1  }
0xeb: {  	v57 =	vld [tilespmem:s20+$0x5480];
	v5 =	vadd.f32 v10, v5;
	v43 =	vbroadcast v11, $0x2;
	v46 =	vbroadcast v11, $0x3  }
0xec: {  	v48 =	vld [tilespmem:s20+$0x3B80];
	v19 =	vsub.f32 v54, v1;
	v51 =	vbroadcast v11, $0x4;
	v55 =	vbroadcast v11, $0x5  }
0xed: {  	v23 =	vld [tilespmem:s20+$0x5600];
	v2 =	vadd.f32 v7, v2;
	v56 =	vbroadcast v11, $0x6;
	v61 =	vbroadcast v11, $0x7  }
0xee: {  	v25 =	vld [tilespmem:s20+$0x5680];
	v3 =	vadd.f32 v8, v3;
	v21 =	vbroadcast v11, $0x8;
	v22 =	vbroadcast v11, $0x9  }
0xef: {  	v52 =	vld [tilespmem:s20+$0x7280];
	v8 =	vsub.f32 v34, v1;
	v24 =	vbroadcast v11, $0xA;
	v29 =	vbroadcast v11, $0xB  }
0xf0: {  	v27 =	vld [tilespmem:s20+$0x5700];
	v20 =	vsub.f32 v57, v1;
	v33 =	vbroadcast v11, $0xC;
	v36 =	vbroadcast v11, $0xD  }
0xf1: {  	v63 =	vld [tilespmem:s20+$0x5580];
	v39 =	vbroadcast v11, $0xE;
	v11 =	vbroadcast v11, $0xF;
	v2 =	vadd.f32 v4, v2  }
0xf2: {  	v47 =	vmax.f32 v8, $0.0e+00;
	v8 =	vsub.f32 v48, v1;
	v32 =	vsub.f32 v23, v1  }
0xf3: {  	v34 =	vsub.f32 v25, v1;
	v7 =	vmul.f32 v9, v37;
	v9 =	vmul.f32 v42, v40  }
0xf4: {  	v35 =	vld [tilespmem:s20+$0x7000];
	v60 =	vsub.f32 v52, v1;
	v45 =	vmul.f32 v13, v43;
	v49 =	vmul.f32 v47, v46  }
0xf5: {  	v10 =	vmul.f32 v59, v56;
	v28 =	vmul.f32 v26, v24;
	v12 =	vsub.f32 v27, v1  }
0xf6: {  	v62 =	vmax.f32 v8, $0.0e+00;
	v8 =	vsub.f32 v63, v1;
	v3 =	vadd.f32 v7, v3  }
0xf7: {  	v52 =	vld [tilespmem:s20+$0xA900];
	v38 =	vmax.f32 v34, $0.0e+00;
	v5 =	vadd.f32 v9, v5;
	v4 =	vadd.f32 v45, v6  }
0xf8: {  	v37 =	vld [tilespmem:s20+$0x7080];
	v7 =	vmax.f32 v50, $0.0e+00;
	v9 =	vmul.f32 v58, v55;
	v2 =	vadd.f32 v49, v2  }
0xf9: {  	v40 =	vld [tilespmem:s20+$0x7100];
	v6 =	vmul.f32 v62, v61;
	v12 =	vmax.f32 v12, $0.0e+00;
	v45 =	vsub.f32 v35, v1  }
0xfa: {  	v7 =	vmul.f32 v7, v51;
	v31 =	vmax.f32 v8, $0.0e+00;
	v8 =	vmax.f32 v32, $0.0e+00  }
0xfb: {  	v63 =	vld [tilespmem:s20+$0x8C00];
	v41 =	vmul.f32 v12, v39;
	v5 =	vadd.f32 v9, v5;
	v4 =	vadd.f32 v10, v4  }
0xfc: {  	v30 =	vld [tilespmem:s20+$0x5780];
	v9 =	vmax.f32 v20, $0.0e+00;
	v2 =	vadd.f32 v6, v2;
	v6 =	vmul.f32 v31, v29  }
0xfd: {  	v49 =	vld [tilespmem:s20+$0x7200];
	v13 =	vsub.f32 v52, v1;
	v3 =	vadd.f32 v7, v3;
	v7 =	vmax.f32 v19, $0.0e+00  }
0xfe: {  	v10 =	vld [tilespmem:$0xE3A0];
	v9 =	vmul.f32 v9, v22;
	v47 =	vsub.f32 v37, v1;
	v48 =	vsub.f32 v40, v1  }
0xff: {  	v55 =	vld [tilespmem:s20+$0x7300];
	v7 =	vmul.f32 v7, v21;
	v4 =	vadd.f32 v28, v4;
	v2 =	vadd.f32 v6, v2  }
0x100: {  	v28 =	vsub.f32 v63, v1;
	v63 =	vmax.f32 v13, $0.0e+00;
	v5 =	vadd.f32 v9, v5  }
0x101: {  	v9 =	vsub.f32 v30, v1;
	v53 =	vmax.f32 v47, $0.0e+00;
	v54 =	vmax.f32 v48, $0.0e+00  }
0x102: {  	v3 =	vadd.f32 v7, v3;
	v7 =	vmul.f32 v8, v33;
	v8 =	vmul.f32 v38, v36  }
0x103: {  	v23 =	vld [tilespmem:s20+$0x8D00];
	v59 =	vsub.f32 v49, v1;
	v46 =	vbroadcast v10, $0x0;
	v50 =	vbroadcast v10, $0x1  }
0x104: {  	v12 =	vsub.f32 v55, v1;
	v51 =	vbroadcast v10, $0x2;
	v56 =	vbroadcast v10, $0x3  }
0x105: {  	v4 =	vadd.f32 v41, v4;
	v61 =	vbroadcast v10, $0x4;
	v62 =	vbroadcast v10, $0x5  }
0x106: {  	v43 =	vld [tilespmem:s20+$0x7180];
	v42 =	vmax.f32 v9, $0.0e+00;
	v20 =	vbroadcast v10, $0x6;
	v25 =	vbroadcast v10, $0x7  }
0x107: {  	v31 =	vld [tilespmem:s20+$0x8E00];
	v22 =	vmax.f32 v12, $0.0e+00;
	v29 =	vbroadcast v10, $0x8;
	v32 =	vbroadcast v10, $0x9  }
0x108: {  	v21 =	vld [tilespmem:s20+$0x8C80];
	v12 =	vsub.f32 v23, v1;
	v35 =	vbroadcast v10, $0xA;
	v38 =	vbroadcast v10, $0xB  }
0x109: {  	v47 =	vbroadcast v10, $0xD;
	v48 =	vbroadcast v10, $0xE;
	v3 =	vadd.f32 v7, v3  }
0x10a: {  	v58 =	vld [tilespmem:s20+$0x7380];
	v5 =	vadd.f32 v8, v5;
	v44 =	vmul.f32 v42, v11;
	v7 =	vmax.f32 v45, $0.0e+00  }
0x10b: {  	v49 =	vld [tilespmem:s20+$0xA880];
	v8 =	vsub.f32 v43, v1;
	v43 =	vbroadcast v10, $0xC;
	v7 =	vmul.f32 v7, v46  }
0x10c: {  	v33 =	vld [tilespmem:s20+$0x8E80];
	v42 =	vsub.f32 v31, v1;
	v9 =	vmul.f32 v53, v50;
	v11 =	vmul.f32 v54, v51  }
0x10d: {  	v36 =	vld [tilespmem:s20+$0x8F00];
	v24 =	vmul.f32 v22, v20;
	v30 =	vsub.f32 v21, v1;
	v12 =	vmax.f32 v12, $0.0e+00  }
0x10e: {  	v53 =	vbroadcast v10, $0xF;
	v2 =	vadd.f32 v44, v2;
	v57 =	vmax.f32 v8, $0.0e+00  }
0x10f: {  	v8 =	vsub.f32 v58, v1;
	v37 =	vmul.f32 v12, v35;
	v3 =	vadd.f32 v7, v3  }
0x110: {  	v5 =	vadd.f32 v9, v5;
	v4 =	vadd.f32 v11, v4;
	v6 =	vmul.f32 v57, v56  }
0x111: {  	v26 =	vld [tilespmem:s20+$0x8D80];
	v7 =	vmax.f32 v59, $0.0e+00;
	v9 =	vmax.f32 v60, $0.0e+00;
	v44 =	vsub.f32 v33, v1  }
0x112: {  	v46 =	vld [tilespmem:s20+$0xA800];
	v34 =	vmax.f32 v30, $0.0e+00;
	v45 =	vsub.f32 v36, v1;
	v57 =	vsub.f32 v49, v1  }
0x113: {  	v22 =	vld [tilespmem:s20+$0xAB80];
	v7 =	vmul.f32 v7, v61;
	v9 =	vmul.f32 v9, v62;
	v27 =	vmax.f32 v8, $0.0e+00  }
0x114: {  	v17 =	vld [tilespmem:s20+$0xAB00];
	v8 =	vmax.f32 v28, $0.0e+00;
	v2 =	vadd.f32 v6, v2;
	v4 =	vadd.f32 v24, v4  }
0x115: {  	v40 =	vld [tilespmem:s20+$0x8F80];
	v6 =	vmul.f32 v27, v25;
	v50 =	vmax.f32 v44, $0.0e+00;
	v51 =	vmax.f32 v45, $0.0e+00  }
0x116: {  	v60 =	vld [tilespmem:s20+$0xAA00];
	v10 =	vmax.f32 v57, $0.0e+00;
	v3 =	vadd.f32 v7, v3;
	v5 =	vadd.f32 v9, v5  }
0x117: {  	v62 =	vld [tilespmem:s20+$0xAA80];
	v7 =	vmul.f32 v8, v29;
	v8 =	vmul.f32 v34, v32;
	v9 =	vsub.f32 v26, v1  }
0x118: {  	v55 =	vld [tilespmem:s20+$0xA980];
	v11 =	vmul.f32 v50, v47;
	v56 =	vsub.f32 v46, v1;
	v34 =	vsub.f32 v22, v1  }
0x119: {  	v25 =	vld [tilespmem:s20+$0xC400];
	v12 =	vmul.f32 v51, v48;
	v2 =	vadd.f32 v6, v2;
	v4 =	vadd.f32 v37, v4  }
0x11a: {  	v44 =	vld [tilespmem:s20+$0xC680];
	v3 =	vadd.f32 v7, v3;
	v5 =	vadd.f32 v8, v5;
	v39 =	vmax.f32 v9, $0.0e+00  }
0x11b: {  	v29 =	vld [tilespmem:s20+$0xC480];
	v7 =	vmax.f32 v42, $0.0e+00;
	v8 =	vsub.f32 v40, v1;
	v21 =	vsub.f32 v60, v1  }
0x11c: {  	v32 =	vld [tilespmem:s20+$0xC500];
	v41 =	vmul.f32 v39, v38;
	v4 =	vadd.f32 v12, v4;
	v24 =	vsub.f32 v62, v1  }
0x11d: {  	v9 =	vld [tilespmem:$0xE3B0];
	v7 =	vmul.f32 v7, v43;
	v12 =	vsub.f32 v17, v1;
	v5 =	vadd.f32 v11, v5  }
0x11e: {  	v54 =	vmax.f32 v8, $0.0e+00;
	v8 =	vsub.f32 v55, v1;
	v36 =	vsub.f32 v25, v1  }
0x11f: {  	v38 =	vmax.f32 v34, $0.0e+00;
	v57 =	vsub.f32 v44, v1;
	v2 =	vadd.f32 v41, v2  }
0x120: {  	v37 =	vld [tilespmem:s20+$0xC580];
	v3 =	vadd.f32 v7, v3;
	v6 =	vmul.f32 v54, v53;
	v7 =	vmax.f32 v56, $0.0e+00  }
0x121: {  	v27 =	vmax.f32 v24, $0.0e+00;
	v31 =	vmax.f32 v12, $0.0e+00;
	v42 =	vsub.f32 v29, v1  }
0x122: {  	v12 =	vsub.f32 v32, v1;
	v20 =	vmax.f32 v8, $0.0e+00;
	v58 =	vbroadcast v9, $0x0  }
0x123: {  	v8 =	vmax.f32 v21, $0.0e+00;
	v59 =	vbroadcast v9, $0x1;
	v61 =	vbroadcast v9, $0x2  }
0x124: {  	v41 =	vmax.f32 v36, $0.0e+00;
	v19 =	vbroadcast v9, $0x3;
	v23 =	vbroadcast v9, $0x4  }
0x125: {  	v40 =	vld [tilespmem:s20+$0xC600];
	v50 =	vsub.f32 v37, v1;
	v26 =	vbroadcast v9, $0x5;
	v28 =	vbroadcast v9, $0x6  }
0x126: {  	v60 =	vmax.f32 v57, $0.0e+00;
	v35 =	vbroadcast v9, $0x7;
	v39 =	vbroadcast v9, $0x8  }
0x127: {  	v47 =	vld [tilespmem:s20+$0xC700];
	v2 =	vadd.f32 v6, v2;
	v43 =	vbroadcast v9, $0x9;
	v46 =	vbroadcast v9, $0xA  }
0x128: {  	v49 =	vld [tilespmem:s20+$0xC780];
	v45 =	vmax.f32 v42, $0.0e+00;
	v52 =	vbroadcast v9, $0xB;
	v53 =	vbroadcast v9, $0xC  }
0x129: {  	v48 =	vmax.f32 v12, $0.0e+00;
	v7 =	vmul.f32 v7, v58;
	v10 =	vmul.f32 v10, v59  }
0x12a: {  	v51 =	vsub.f32 v40, v1;
	v18 =	vmul.f32 v63, v61;
	v6 =	vmul.f32 v20, v19  }
0x12b: {  	v54 =	vmax.f32 v50, $0.0e+00;
	v30 =	vmul.f32 v27, v26;
	v33 =	vmul.f32 v31, v28  }
0x12c: {  	v55 =	vmax.f32 v51, $0.0e+00;
	v58 =	vbroadcast v9, $0xD;
	v59 =	vsub.f32 v47, v1  }
0x12d: {  	v1 =	vsub.f32 v49, v1;
	v61 =	vbroadcast v9, $0xE;
	v9 =	vbroadcast v9, $0xF  }
0x12e: {  	v56 =	vmul.f32 v55, v53;
	v3 =	vadd.f32 v7, v3;
	v7 =	vmul.f32 v8, v23  }
0x12f: {  	v5 =	vadd.f32 v10, v5;
	v2 =	vadd.f32 v6, v2;
	v6 =	vmul.f32 v38, v35  }
0x130: {  	v4 =	vadd.f32 v18, v4;
	v3 =	vadd.f32 v7, v3;
	v7 =	vmul.f32 v41, v39  }
0x131: {  	v5 =	vadd.f32 v30, v5;
	v2 =	vadd.f32 v6, v2;
	v6 =	vmul.f32 v45, v43  }
0x132: {  	v62 =	vmax.f32 v59, $0.0e+00;
	v4 =	vadd.f32 v33, v4;
	v3 =	vadd.f32 v7, v3  }
0x133: {  	v7 =	vmul.f32 v48, v46;
	v5 =	vadd.f32 v6, v5;
	v6 =	vmul.f32 v54, v52  }
0x134: {  	v8 =	vmul.f32 v60, v58;
	v1 =	vmax.f32 v1, $0.0e+00;
	v63 =	vmul.f32 v62, v61  }
0x135: {  	v1 =	vmul.f32 v1, v9;
	v4 =	vadd.f32 v7, v4;
	v2 =	vadd.f32 v6, v2  }
0x136: {  	v3 =	vadd.f32 v56, v3;
	v5 =	vadd.f32 v8, v5  }
0x137: {  	s18 =	sadd.s32 $0x1, s18;
	v4 =	vadd.f32 v63, v4;
	v1 =	vadd.f32 v1, v2  }
0x138: {  	p0 =	sne.s32 s18, $0x38  }
.Ltmp5:
0x139: {  	v2 =	vadd.f32 v5, v3;
	v1 =	vadd.f32 v1, v4;
	(pc) =	sbr.rel @p0 .LBB2_3-.Ltmp5, $3  }
0x13a: {  	_ = 	snop  }
0x13b: {  	v1 =	vadd.f32 v1, v2;
	_ =	sdelay $0x1  }
0x13c: {  	[tilespmem:s19+$0xE000] =	vst v1  }
0x13d: {  	s16 =	sadd.s32 s7, s16;
	s15 =	sadd.s32 $0x1, s15  }
0x13e: {  	s16 =	sshrl.u32 s16, $0x3;
	p0 =	sne.s32 s15, $0xE  }
.Ltmp6:
0x13f: {  	s16 =	sadd.s32 s4, s16;
	(pc) =	sbr.rel @p0 .LBB2_2-.Ltmp6, $4  }
0x140: {  	[hbm4b:s16+s3] =	stream.linear.scatter [tilespmem:s13], [sflag:$0x1], $0x380, $0x38;
	[tilespmem:$0xE400] =	vst v63  }
0x141: {  	_ =	swait.ge [sflag:s10], $0x380  }
0x142: {  	[sflag:s10] =	ssyncset.done $0x0  }
0x143: {  	[sflag:s10] =	ssyncadd.s32 $0xFFFFFC80  }
0x144: {  	s14 =	sadd.s32 $0x1, s14  }
0x145: {  	p0 =	sne.s32 s14, s8  }
.Ltmp7:
0x146: {  	_ = 	snop;
	(pc) =	sbr.rel @p0 .LBB2_1-.Ltmp7, $1  }
0x147: {  	_ =	sdelay $0x3  }
0x148: {  	_ =	sfence.sel $0x180000  }
0x149: {  	[bflag:$0x0] =	sbarrier.arrive $0xFFFF  }
0x14a: {  	p0 =	sne.s32 s1, $0x0;
	_ =	strace $0x90000047  }
0x14b: {  	s0 =	sadd.s32 @!p0 $0x100000, s0;
	[bflag:$0x2] =	sbarrier.arrive $0xFFFF  }
0x14c: {  	[sflag:s0] =	ssyncadd.tile.s32 @!p0 $0x1;
	_ =	shalt  }
.Lfunc_end2:
_tile_overlayer_lowered:
.L_overlay_start_2:
0x14d: {  	(tag) =	ssettag $0x2  }
0x14e: {  	s0 =	rddreg [dreg:$0x0];
	s2 =	stileid.u32  }
0x14f: {  	s1 =	rddreg [dreg:$0x1];
	p0 =	sne.s32 s2, $0x0  }
0x150: {  	s3 =	rddreg [dreg:$0x2];
	[bflag:$0x3] =	sbarrier.arrive $0xFFFF;
	s2 =	simm.s32 @!p0 $0x1C01  }
0x151: {  	[timem:s3], [sflag:s2] =	dma.local @!p0 [hbm:s0], s1  }
0x152: {  	s0 =	simm.s32 @!p0 $0x1  }
0x153: {  	_ =	swait.ge @!p0 [sflag:s0], s1  }
0x154: {  	s1 =	ssub.s32 @!p0 $0x0, s1;
	[sflag:s0] =	ssyncset.done @!p0 $0x0  }
0x155: {  	[sflag:s0] =	ssyncadd.s32 @!p0 s1  }
0x156: {  	[bflag:$0x3] =	sbarrier.arrive $0xFFFF  }
0x157: {  	_ =	shalt  }

</sc_bundles>
